<compile_context>
chip_gen: v7x
topology: tpu7x:2x2x1
jax: 0.10.2.dev20260603
libtpu: 0.0.44.dev20260713+nightly
codegen_flags: <defaults>
</compile_context>

<pallas_src>
import functools
import jax
import jax.numpy as jnp
from jax import lax
from jax.experimental import pallas as pl
from jax.experimental.pallas import tpu as pltpu
from jax.experimental.pallas import tpu_sc as plsc

_CAP = 1000000
_N = 16384
_D = 64
_C = 256
_GSC = 999424 // _C
_CREM = _CAP % _C
_TBLK0 = 1024
_NWORK = 32
_NBUF = 6
_ITERS = _GSC // _NWORK
_TT = _ITERS // _NBUF + 2
_FW = _N + 2 * _TBLK0 + _C
_TBLK = _TBLK0
_NBLK = (_CAP + _TBLK - 1) // _TBLK
_TGRID = _N // _TBLK + 3


def _sc_body(q_hbm, o_hbm, vq, in_sem, out_sem):
    wid = lax.axis_index("s") * 2 + lax.axis_index("c")

    def g_of(i):
        return wid * _ITERS + i

    def pipe_step(t, _):
        for k in range(_NBUF):
            i = t * _NBUF + k

            @pl.when(jnp.logical_and(i >= _NBUF, i - _NBUF < _ITERS))
            def _drain_out():
                sp = pl.multiple_of(g_of(i - _NBUF) * _C, 128)
                pltpu.make_async_copy(
                    vq.at[k], o_hbm.at[:, pl.ds(sp, _C)], out_sem.at[k]).wait()

            @pl.when(i < _ITERS)
            def _start_in():
                s = pl.multiple_of(g_of(i) * _C, 128)
                pltpu.make_async_copy(
                    q_hbm.at[:, pl.ds(s, _C)], vq.at[k], in_sem.at[k]).start()

            kp = (k + _NBUF - 1) % _NBUF

            @pl.when(jnp.logical_and(i >= 1, i - 1 < _ITERS))
            def _flip_prev():
                sp = pl.multiple_of(g_of(i - 1) * _C, 128)
                pltpu.make_async_copy(
                    q_hbm.at[:, pl.ds(sp, _C)], vq.at[kp], in_sem.at[kp]).wait()
                pltpu.make_async_copy(
                    vq.at[kp], o_hbm.at[:, pl.ds(sp, _C)], out_sem.at[kp]).start()
        return 0

    lax.fori_loop(0, _TT, pipe_step, 0)


@functools.cache
def _sc_call():
    mesh = plsc.VectorSubcoreMesh(
        core_axis_name="c", subcore_axis_name="s",
        num_cores=2, num_subcores=16)
    return functools.partial(
        pl.kernel,
        out_type=jax.ShapeDtypeStruct((_D, _CAP), jnp.float32),
        mesh=mesh,
        scratch_types=[
            pltpu.VMEM((_NBUF, _D, _C), jnp.float32),
            pltpu.SemaphoreType.DMA((_NBUF,)),
            pltpu.SemaphoreType.DMA((_NBUF,)),
        ],
    )(_sc_body)


def _tc_blk(t, sp):
    p0b = sp[0] // _TBLK
    b = p0b + t
    b = jnp.where(b >= _NBLK, b - _NBLK, b)
    return jnp.where(t == _TGRID - 1, _NBLK - 1, b)


def _tc_merge_body(sp_ref, q_ref, f1_ref, f2_ref, sc_ref, o_ref):
    del sc_ref
    ptr = sp_ref[0]
    t = pl.program_id(0)
    blk = _tc_blk(t, sp_ref)
    s = blk * _TBLK
    col = s + lax.broadcasted_iota(jnp.int32, (1, _TBLK), 1)
    off = col - ptr
    off = jnp.where(off < 0, off + _CAP, off)
    mask = off < _N
    a = ptr % _C
    a2 = jnp.where(a >= _CREM, a - _CREM, a + _C - _CREM)
    usef2 = s < ptr + _N - _CAP
    fs1 = pl.multiple_of(jnp.clip(s + a + _TBLK - ptr, 0, _FW - _TBLK), 128)
    fs2 = pl.multiple_of(
        jnp.clip(s + _CAP - ptr + a2, 0, _FW - _TBLK), 128)
    fblk = jnp.where(usef2, f2_ref[:, pl.ds(fs2, _TBLK)],
                     f1_ref[:, pl.ds(fs1, _TBLK)])
    o_ref[...] = jnp.where(mask, fblk, q_ref[...])


def _tc_merge(qt, f1, f2, out_sc, pvec):
    grid_spec = pltpu.PrefetchScalarGridSpec(
        num_scalar_prefetch=1,
        grid=(_TGRID,),
        in_specs=[
            pl.BlockSpec((_D, _TBLK), lambda t, sp: (0, _tc_blk(t, sp))),
            pl.BlockSpec((_D, _FW), lambda t, sp: (0, 0)),
            pl.BlockSpec((_D, _FW), lambda t, sp: (0, 0)),
            pl.BlockSpec(memory_space=pltpu.MemorySpace.HBM),
        ],
        out_specs=pl.BlockSpec((_D, _TBLK), lambda t, sp: (0, _tc_blk(t, sp))),
    )
    return pl.pallas_call(
        _tc_merge_body,
        grid_spec=grid_spec,
        out_shape=jax.ShapeDtypeStruct((_D, _CAP), jnp.float32),
        input_output_aliases={4: 0},
    )(pvec[:1], qt, f1, f2, out_sc)


def kernel(queue, features, ptr):
    ptr = jnp.asarray(ptr, jnp.int32)
    qt = jnp.swapaxes(queue, 0, 1)
    ft = jnp.swapaxes(features, 0, 1)
    a = ptr % _C
    a2 = jnp.where(a >= _CREM, a - _CREM, a + _C - _CREM)
    f1 = jax.lax.dynamic_update_slice(
        jnp.zeros((_D, _FW), jnp.float32), ft, (0, a + _TBLK))
    f2 = jax.lax.dynamic_update_slice(
        jnp.zeros((_D, _FW), jnp.float32), ft, (0, a2))
    pvec = ptr.reshape(1)
    out_sc = _sc_call()(qt)
    out_t = _tc_merge(qt, f1, f2, out_sc, pvec)
    return jnp.swapaxes(out_t, 0, 1)

# --- scband reference (transcript-rebuilt; emitter-appended) ---
"""Pipeline reference for scband-memory-bank-61993557950899 (READ-ONLY COPY).

The authoritative reference and input builder live on the scoring server;
editing this copy changes nothing except your own understanding.
"""

import jax, jax.numpy as jnp
import numpy as np

CAPACITY = 1000000
DIM = 64
BATCH = 16384
PTR = 995000


def setup_inputs(seed: int = 0) -> dict:
    key = jax.random.key(seed)
    k1, k2 = jax.random.split(key)
    queue = jax.random.normal(k1, (CAPACITY, DIM), dtype=jnp.float32)
    # F.normalize(queue, dim=1) as done in __init__
    queue = queue / jnp.linalg.norm(queue, axis=1, keepdims=True).clip(1e-12)
    features = jax.random.normal(k2, (BATCH, DIM), dtype=jnp.float32)
    return {"queue": queue, "features": features, "ptr": PTR}


def reference(queue, features, ptr):
    # MemoryBank.push(features) followed by pull(): contiguous ring-buffer
    # scatter-overwrite into the memory bank, with wrap-around handling.
    capacity = queue.shape[0]
    n = features.shape[0]
    indices = (ptr + jnp.arange(n)) % capacity
    queue = queue.at[indices, :].set(features)
    # pull() returns the full queue
    return queue

if __name__ == "__main__":
    import jax
    _d = setup_inputs()
    print(jax.jit(kernel)(*tuple(_d.values())))

</pallas_src>

<mosaic_0001>
#map = affine_map<(d0, d1) -> (0, 0)>
module attributes {stable_mosaic.version = 14 : i64} {
  func.func @_sc_body(%arg0: i32, %arg1: i32, %arg2: memref<64x1000000xf32, #tpu.memory_space<hbm>>, %arg3: memref<64x1000000xf32, #tpu.memory_space<hbm>>, %arg4: memref<6x64x256xf32, #tpu.memory_space<vmem>>, %arg5: memref<6x!tpu.dma_semaphore, #tpu.memory_space<semaphore_mem>>, %arg6: memref<6x!tpu.dma_semaphore, #tpu.memory_space<semaphore_mem>>) attributes {dimension_semantics = [#tpu.dimension_semantics<core_parallel>, #tpu.dimension_semantics<subcore_parallel>], iteration_bounds = array<i64: 2, 16>, scalar_prefetch = 0 : i64, scratch_operands = 3 : i64, tpu.core_type = #tpu.core_type<sc_vector_subcore>, window_params = [{transform_indices = #map}, {transform_indices = #map}]} {
    %mul3A = arith.constant 2 : i32
    %mul3A_0 = arith.muli %arg1, %mul3A : i32
    %add3A = arith.addi %mul3A_0, %arg0 : i32
    %scan3A = arith.constant 0 : i32
    %scan3A_1 = arith.constant 0 : i32
    %scan3A_2 = arith.constant 22 : i32
    %scan3A_3 = arith.addi %scan3A_1, %scan3A_2 : i32
    %scan3A_4 = arith.constant 1 : i32
    %scan3A_5 = scf.for %scan3A_7 = %scan3A_1 to %scan3A_3 step %scan3A_4 iter_args(%scan3A_8 = %scan3A) -> (i32)  : i32 {
      %mul3A_9 = arith.constant 6 : i32
      %mul3A_10 = arith.muli %scan3A_7, %mul3A_9 : i32
      %add3A_11 = arith.constant 0 : i32
      %add3A_12 = arith.addi %mul3A_10, %add3A_11 : i32
      %ge3A = arith.constant 6 : i32
      %ge3A_13 = arith.cmpi sge, %add3A_12, %ge3A : i32
      %sub3A = arith.constant 6 : i32
      %sub3A_14 = arith.subi %add3A_12, %sub3A : i32
      %lt3A = arith.constant 122 : i32
      %lt3A_15 = arith.cmpi slt, %sub3A_14, %lt3A : i32
      %and3A = arith.andi %ge3A_13, %lt3A_15 : i1
      %convert_element_type3A = arith.extui %and3A : i1 to i32
      %cond3A = arith.constant 0 : i32
      %cond3A_16 = arith.cmpi ne, %convert_element_type3A, %cond3A : i32
      scf.if %cond3A_16 {
        %sub3A_178 = arith.constant 6 : i32
        %sub3A_179 = arith.subi %add3A_12, %sub3A_178 : i32
        %mul3A_180 = arith.constant 122 : i32
        %mul3A_181 = arith.muli %add3A, %mul3A_180 : i32
        %add3A_182 = arith.addi %mul3A_181, %sub3A_179 : i32
        %mul3A_183 = arith.constant 256 : i32
        %mul3A_184 = arith.muli %add3A_182, %mul3A_183 : i32
        %multiple_of3A = tpu.assume_multiple %mul3A_184, 128 : i32
        %dma_wait3A = arith.constant 0 : i32
        %dma_wait3A_185 = arith.constant 0 : i32
        %dma_wait3A_186 = arith.constant 0 : i32
        %dma_wait3A_187 = arith.constant 0 : i32
        %dma_wait3A_188 = tpu.memref_slice %arg4[%dma_wait3A, %dma_wait3A_186, %dma_wait3A_187] : memref<6x64x256xf32, #tpu.memory_space<vmem>> -> memref<1x64x256xf32, #tpu.memory_space<vmem>>
        %dma_wait3A_189 = tpu.memref_squeeze %dma_wait3A_188 : memref<1x64x256xf32, #tpu.memory_space<vmem>> -> memref<64x256xf32, #tpu.memory_space<vmem>>
        %dma_wait3A_190 = arith.constant 0 : i32
        %dma_wait3A_191 = tpu.memref_slice %arg3[%dma_wait3A_190, %multiple_of3A] : memref<64x1000000xf32, #tpu.memory_space<hbm>> -> memref<64x256xf32, #tpu.memory_space<hbm>>
        %dma_wait3A_192 = tpu.memref_slice %arg6[%dma_wait3A_185] : memref<6x!tpu.dma_semaphore, #tpu.memory_space<semaphore_mem>> -> memref<1x!tpu.dma_semaphore, #tpu.memory_space<semaphore_mem>>
        %dma_wait3A_193 = tpu.memref_squeeze %dma_wait3A_192 : memref<1x!tpu.dma_semaphore, #tpu.memory_space<semaphore_mem>> -> memref<!tpu.dma_semaphore, #tpu.memory_space<semaphore_mem>>
        %dma_wait3A_194 = arith.constant 0 : i32
        %dma_wait3A_195 = tpu.memref_slice %arg3[%dma_wait3A_194, %multiple_of3A] : memref<64x1000000xf32, #tpu.memory_space<hbm>> -> memref<64x256xf32, #tpu.memory_space<hbm>>
        %dma_wait3A_196 = arith.constant 0 : i32
        %dma_wait3A_197 = arith.constant 0 : i32
        %dma_wait3A_198 = tpu.memref_slice %arg4[%dma_wait3A, %dma_wait3A_196, %dma_wait3A_197] : memref<6x64x256xf32, #tpu.memory_space<vmem>> -> memref<1x64x256xf32, #tpu.memory_space<vmem>>
        %dma_wait3A_199 = tpu.memref_squeeze %dma_wait3A_198 : memref<1x64x256xf32, #tpu.memory_space<vmem>> -> memref<64x256xf32, #tpu.memory_space<vmem>>
        tpu.wait_dma2 semaphore(%dma_wait3A_193 : memref<!tpu.dma_semaphore, #tpu.memory_space<semaphore_mem>>) src(%dma_wait3A_199 : memref<64x256xf32, #tpu.memory_space<vmem>>) dst(%dma_wait3A_195 : memref<64x256xf32, #tpu.memory_space<hbm>>)
      } else {
      }
      %lt3A_17 = arith.constant 122 : i32
      %lt3A_18 = arith.cmpi slt, %add3A_12, %lt3A_17 : i32
      %convert_element_type3A_19 = arith.extui %lt3A_18 : i1 to i32
      %cond3A_20 = arith.constant 0 : i32
      %cond3A_21 = arith.cmpi ne, %convert_element_type3A_19, %cond3A_20 : i32
      scf.if %cond3A_21 {
        %mul3A_178 = arith.constant 122 : i32
        %mul3A_179 = arith.muli %add3A, %mul3A_178 : i32
        %add3A_180 = arith.addi %mul3A_179, %add3A_12 : i32
        %mul3A_181 = arith.constant 256 : i32
        %mul3A_182 = arith.muli %add3A_180, %mul3A_181 : i32
        %multiple_of3A = tpu.assume_multiple %mul3A_182, 128 : i32
        %dma_start3A = arith.constant 0 : i32
        %dma_start3A_183 = arith.constant 0 : i32
        %dma_start3A_184 = arith.constant 0 : i32
        %dma_start3A_185 = arith.constant 0 : i32
        %dma_start3A_186 = tpu.memref_slice %arg4[%dma_start3A, %dma_start3A_184, %dma_start3A_185] : memref<6x64x256xf32, #tpu.memory_space<vmem>> -> memref<1x64x256xf32, #tpu.memory_space<vmem>>
        %dma_start3A_187 = tpu.memref_squeeze %dma_start3A_186 : memref<1x64x256xf32, #tpu.memory_space<vmem>> -> memref<64x256xf32, #tpu.memory_space<vmem>>
        %dma_start3A_188 = arith.constant 0 : i32
        %dma_start3A_189 = tpu.memref_slice %arg2[%dma_start3A_188, %multiple_of3A] : memref<64x1000000xf32, #tpu.memory_space<hbm>> -> memref<64x256xf32, #tpu.memory_space<hbm>>
        %dma_start3A_190 = tpu.memref_slice %arg5[%dma_start3A_183] : memref<6x!tpu.dma_semaphore, #tpu.memory_space<semaphore_mem>> -> memref<1x!tpu.dma_semaphore, #tpu.memory_space<semaphore_mem>>
        %dma_start3A_191 = tpu.memref_squeeze %dma_start3A_190 : memref<1x!tpu.dma_semaphore, #tpu.memory_space<semaphore_mem>> -> memref<!tpu.dma_semaphore, #tpu.memory_space<semaphore_mem>>
        %dma_start3A_192 = arith.constant 0 : i32
        %dma_start3A_193 = arith.constant 0 : i32
        %dma_start3A_194 = tpu.memref_slice %arg4[%dma_start3A, %dma_start3A_192, %dma_start3A_193] : memref<6x64x256xf32, #tpu.memory_space<vmem>> -> memref<1x64x256xf32, #tpu.memory_space<vmem>>
        %dma_start3A_195 = tpu.memref_squeeze %dma_start3A_194 : memref<1x64x256xf32, #tpu.memory_space<vmem>> -> memref<64x256xf32, #tpu.memory_space<vmem>>
        %dma_start3A_196 = arith.constant 0 : i32
        %dma_start3A_197 = tpu.memref_slice %arg2[%dma_start3A_196, %multiple_of3A] : memref<64x1000000xf32, #tpu.memory_space<hbm>> -> memref<64x256xf32, #tpu.memory_space<hbm>>
        tpu.enqueue_dma source(%dma_start3A_197 : memref<64x256xf32, #tpu.memory_space<hbm>>) target(%dma_start3A_195 : memref<64x256xf32, #tpu.memory_space<vmem>>) target_semaphore(%dma_start3A_191 : memref<!tpu.dma_semaphore, #tpu.memory_space<semaphore_mem>>)
      } else {
      }
      %ge3A_22 = arith.constant 1 : i32
      %ge3A_23 = arith.cmpi sge, %add3A_12, %ge3A_22 : i32
      %sub3A_24 = arith.constant 1 : i32
      %sub3A_25 = arith.subi %add3A_12, %sub3A_24 : i32
      %lt3A_26 = arith.constant 122 : i32
      %lt3A_27 = arith.cmpi slt, %sub3A_25, %lt3A_26 : i32
      %and3A_28 = arith.andi %ge3A_23, %lt3A_27 : i1
      %convert_element_type3A_29 = arith.extui %and3A_28 : i1 to i32
      %cond3A_30 = arith.constant 0 : i32
      %cond3A_31 = arith.cmpi ne, %convert_element_type3A_29, %cond3A_30 : i32
      scf.if %cond3A_31 {
        %sub3A_178 = arith.constant 1 : i32
        %sub3A_179 = arith.subi %add3A_12, %sub3A_178 : i32
        %mul3A_180 = arith.constant 122 : i32
        %mul3A_181 = arith.muli %add3A, %mul3A_180 : i32
        %add3A_182 = arith.addi %mul3A_181, %sub3A_179 : i32
        %mul3A_183 = arith.constant 256 : i32
        %mul3A_184 = arith.muli %add3A_182, %mul3A_183 : i32
        %multiple_of3A = tpu.assume_multiple %mul3A_184, 128 : i32
        %dma_wait3A = arith.constant 5 : i32
        %dma_wait3A_185 = arith.constant 5 : i32
        %dma_wait3A_186 = arith.constant 0 : i32
        %dma_wait3A_187 = arith.constant 0 : i32
        %dma_wait3A_188 = tpu.memref_slice %arg4[%dma_wait3A, %dma_wait3A_186, %dma_wait3A_187] : memref<6x64x256xf32, #tpu.memory_space<vmem>> -> memref<1x64x256xf32, #tpu.memory_space<vmem>>
        %dma_wait3A_189 = tpu.memref_squeeze %dma_wait3A_188 : memref<1x64x256xf32, #tpu.memory_space<vmem>> -> memref<64x256xf32, #tpu.memory_space<vmem>>
        %dma_wait3A_190 = arith.constant 0 : i32
        %dma_wait3A_191 = tpu.memref_slice %arg2[%dma_wait3A_190, %multiple_of3A] : memref<64x1000000xf32, #tpu.memory_space<hbm>> -> memref<64x256xf32, #tpu.memory_space<hbm>>
        %dma_wait3A_192 = tpu.memref_slice %arg5[%dma_wait3A_185] : memref<6x!tpu.dma_semaphore, #tpu.memory_space<semaphore_mem>> -> memref<1x!tpu.dma_semaphore, #tpu.memory_space<semaphore_mem>>
        %dma_wait3A_193 = tpu.memref_squeeze %dma_wait3A_192 : memref<1x!tpu.dma_semaphore, #tpu.memory_space<semaphore_mem>> -> memref<!tpu.dma_semaphore, #tpu.memory_space<semaphore_mem>>
        %dma_wait3A_194 = arith.constant 0 : i32
        %dma_wait3A_195 = arith.constant 0 : i32
        %dma_wait3A_196 = tpu.memref_slice %arg4[%dma_wait3A, %dma_wait3A_194, %dma_wait3A_195] : memref<6x64x256xf32, #tpu.memory_space<vmem>> -> memref<1x64x256xf32, #tpu.memory_space<vmem>>
        %dma_wait3A_197 = tpu.memref_squeeze %dma_wait3A_196 : memref<1x64x256xf32, #tpu.memory_space<vmem>> -> memref<64x256xf32, #tpu.memory_space<vmem>>
        %dma_wait3A_198 = arith.constant 0 : i32
        %dma_wait3A_199 = tpu.memref_slice %arg2[%dma_wait3A_198, %multiple_of3A] : memref<64x1000000xf32, #tpu.memory_space<hbm>> -> memref<64x256xf32, #tpu.memory_space<hbm>>
        tpu.wait_dma2 semaphore(%dma_wait3A_193 : memref<!tpu.dma_semaphore, #tpu.memory_space<semaphore_mem>>) src(%dma_wait3A_199 : memref<64x256xf32, #tpu.memory_space<hbm>>) dst(%dma_wait3A_197 : memref<64x256xf32, #tpu.memory_space<vmem>>)
        %dma_start3A = arith.constant 5 : i32
        %dma_start3A_200 = arith.constant 5 : i32
        %dma_start3A_201 = arith.constant 0 : i32
        %dma_start3A_202 = arith.constant 0 : i32
        %dma_start3A_203 = tpu.memref_slice %arg4[%dma_start3A, %dma_start3A_201, %dma_start3A_202] : memref<6x64x256xf32, #tpu.memory_space<vmem>> -> memref<1x64x256xf32, #tpu.memory_space<vmem>>
        %dma_start3A_204 = tpu.memref_squeeze %dma_start3A_203 : memref<1x64x256xf32, #tpu.memory_space<vmem>> -> memref<64x256xf32, #tpu.memory_space<vmem>>
        %dma_start3A_205 = arith.constant 0 : i32
        %dma_start3A_206 = tpu.memref_slice %arg3[%dma_start3A_205, %multiple_of3A] : memref<64x1000000xf32, #tpu.memory_space<hbm>> -> memref<64x256xf32, #tpu.memory_space<hbm>>
        %dma_start3A_207 = tpu.memref_slice %arg6[%dma_start3A_200] : memref<6x!tpu.dma_semaphore, #tpu.memory_space<semaphore_mem>> -> memref<1x!tpu.dma_semaphore, #tpu.memory_space<semaphore_mem>>
        %dma_start3A_208 = tpu.memref_squeeze %dma_start3A_207 : memref<1x!tpu.dma_semaphore, #tpu.memory_space<semaphore_mem>> -> memref<!tpu.dma_semaphore, #tpu.memory_space<semaphore_mem>>
        %dma_start3A_209 = arith.constant 0 : i32
        %dma_start3A_210 = tpu.memref_slice %arg3[%dma_start3A_209, %multiple_of3A] : memref<64x1000000xf32, #tpu.memory_space<hbm>> -> memref<64x256xf32, #tpu.memory_space<hbm>>
        %dma_start3A_211 = arith.constant 0 : i32
        %dma_start3A_212 = arith.constant 0 : i32
        %dma_start3A_213 = tpu.memref_slice %arg4[%dma_start3A, %dma_start3A_211, %dma_start3A_212] : memref<6x64x256xf32, #tpu.memory_space<vmem>> -> memref<1x64x256xf32, #tpu.memory_space<vmem>>
        %dma_start3A_214 = tpu.memref_squeeze %dma_start3A_213 : memref<1x64x256xf32, #tpu.memory_space<vmem>> -> memref<64x256xf32, #tpu.memory_space<vmem>>
        tpu.enqueue_dma source(%dma_start3A_214 : memref<64x256xf32, #tpu.memory_space<vmem>>) target(%dma_start3A_210 : memref<64x256xf32, #tpu.memory_space<hbm>>) target_semaphore(%dma_start3A_208 : memref<!tpu.dma_semaphore, #tpu.memory_space<semaphore_mem>>)
      } else {
      }
      %mul3A_32 = arith.constant 6 : i32
      %mul3A_33 = arith.muli %scan3A_7, %mul3A_32 : i32
      %add3A_34 = arith.constant 1 : i32
      %add3A_35 = arith.addi %mul3A_33, %add3A_34 : i32
      %ge3A_36 = arith.constant 6 : i32
      %ge3A_37 = arith.cmpi sge, %add3A_35, %ge3A_36 : i32
      %sub3A_38 = arith.constant 6 : i32
      %sub3A_39 = arith.subi %add3A_35, %sub3A_38 : i32
      %lt3A_40 = arith.constant 122 : i32
      %lt3A_41 = arith.cmpi slt, %sub3A_39, %lt3A_40 : i32
      %and3A_42 = arith.andi %ge3A_37, %lt3A_41 : i1
      %convert_element_type3A_43 = arith.extui %and3A_42 : i1 to i32
      %cond3A_44 = arith.constant 0 : i32
      %cond3A_45 = arith.cmpi ne, %convert_element_type3A_43, %cond3A_44 : i32
      scf.if %cond3A_45 {
        %sub3A_178 = arith.constant 6 : i32
        %sub3A_179 = arith.subi %add3A_35, %sub3A_178 : i32
        %mul3A_180 = arith.constant 122 : i32
        %mul3A_181 = arith.muli %add3A, %mul3A_180 : i32
        %add3A_182 = arith.addi %mul3A_181, %sub3A_179 : i32
        %mul3A_183 = arith.constant 256 : i32
        %mul3A_184 = arith.muli %add3A_182, %mul3A_183 : i32
        %multiple_of3A = tpu.assume_multiple %mul3A_184, 128 : i32
        %dma_wait3A = arith.constant 1 : i32
        %dma_wait3A_185 = arith.constant 1 : i32
        %dma_wait3A_186 = arith.constant 0 : i32
        %dma_wait3A_187 = arith.constant 0 : i32
        %dma_wait3A_188 = tpu.memref_slice %arg4[%dma_wait3A, %dma_wait3A_186, %dma_wait3A_187] : memref<6x64x256xf32, #tpu.memory_space<vmem>> -> memref<1x64x256xf32, #tpu.memory_space<vmem>>
        %dma_wait3A_189 = tpu.memref_squeeze %dma_wait3A_188 : memref<1x64x256xf32, #tpu.memory_space<vmem>> -> memref<64x256xf32, #tpu.memory_space<vmem>>
        %dma_wait3A_190 = arith.constant 0 : i32
        %dma_wait3A_191 = tpu.memref_slice %arg3[%dma_wait3A_190, %multiple_of3A] : memref<64x1000000xf32, #tpu.memory_space<hbm>> -> memref<64x256xf32, #tpu.memory_space<hbm>>
        %dma_wait3A_192 = tpu.memref_slice %arg6[%dma_wait3A_185] : memref<6x!tpu.dma_semaphore, #tpu.memory_space<semaphore_mem>> -> memref<1x!tpu.dma_semaphore, #tpu.memory_space<semaphore_mem>>
        %dma_wait3A_193 = tpu.memref_squeeze %dma_wait3A_192 : memref<1x!tpu.dma_semaphore, #tpu.memory_space<semaphore_mem>> -> memref<!tpu.dma_semaphore, #tpu.memory_space<semaphore_mem>>
        %dma_wait3A_194 = arith.constant 0 : i32
        %dma_wait3A_195 = tpu.memref_slice %arg3[%dma_wait3A_194, %multiple_of3A] : memref<64x1000000xf32, #tpu.memory_space<hbm>> -> memref<64x256xf32, #tpu.memory_space<hbm>>
        %dma_wait3A_196 = arith.constant 0 : i32
        %dma_wait3A_197 = arith.constant 0 : i32
        %dma_wait3A_198 = tpu.memref_slice %arg4[%dma_wait3A, %dma_wait3A_196, %dma_wait3A_197] : memref<6x64x256xf32, #tpu.memory_space<vmem>> -> memref<1x64x256xf32, #tpu.memory_space<vmem>>
        %dma_wait3A_199 = tpu.memref_squeeze %dma_wait3A_198 : memref<1x64x256xf32, #tpu.memory_space<vmem>> -> memref<64x256xf32, #tpu.memory_space<vmem>>
        tpu.wait_dma2 semaphore(%dma_wait3A_193 : memref<!tpu.dma_semaphore, #tpu.memory_space<semaphore_mem>>) src(%dma_wait3A_199 : memref<64x256xf32, #tpu.memory_space<vmem>>) dst(%dma_wait3A_195 : memref<64x256xf32, #tpu.memory_space<hbm>>)
      } else {
      }
      %lt3A_46 = arith.constant 122 : i32
      %lt3A_47 = arith.cmpi slt, %add3A_35, %lt3A_46 : i32
      %convert_element_type3A_48 = arith.extui %lt3A_47 : i1 to i32
      %cond3A_49 = arith.constant 0 : i32
      %cond3A_50 = arith.cmpi ne, %convert_element_type3A_48, %cond3A_49 : i32
      scf.if %cond3A_50 {
        %mul3A_178 = arith.constant 122 : i32
        %mul3A_179 = arith.muli %add3A, %mul3A_178 : i32
        %add3A_180 = arith.addi %mul3A_179, %add3A_35 : i32
        %mul3A_181 = arith.constant 256 : i32
        %mul3A_182 = arith.muli %add3A_180, %mul3A_181 : i32
        %multiple_of3A = tpu.assume_multiple %mul3A_182, 128 : i32
        %dma_start3A = arith.constant 1 : i32
        %dma_start3A_183 = arith.constant 1 : i32
        %dma_start3A_184 = arith.constant 0 : i32
        %dma_start3A_185 = arith.constant 0 : i32
        %dma_start3A_186 = tpu.memref_slice %arg4[%dma_start3A, %dma_start3A_184, %dma_start3A_185] : memref<6x64x256xf32, #tpu.memory_space<vmem>> -> memref<1x64x256xf32, #tpu.memory_space<vmem>>
        %dma_start3A_187 = tpu.memref_squeeze %dma_start3A_186 : memref<1x64x256xf32, #tpu.memory_space<vmem>> -> memref<64x256xf32, #tpu.memory_space<vmem>>
        %dma_start3A_188 = arith.constant 0 : i32
        %dma_start3A_189 = tpu.memref_slice %arg2[%dma_start3A_188, %multiple_of3A] : memref<64x1000000xf32, #tpu.memory_space<hbm>> -> memref<64x256xf32, #tpu.memory_space<hbm>>
        %dma_start3A_190 = tpu.memref_slice %arg5[%dma_start3A_183] : memref<6x!tpu.dma_semaphore, #tpu.memory_space<semaphore_mem>> -> memref<1x!tpu.dma_semaphore, #tpu.memory_space<semaphore_mem>>
        %dma_start3A_191 = tpu.memref_squeeze %dma_start3A_190 : memref<1x!tpu.dma_semaphore, #tpu.memory_space<semaphore_mem>> -> memref<!tpu.dma_semaphore, #tpu.memory_space<semaphore_mem>>
        %dma_start3A_192 = arith.constant 0 : i32
        %dma_start3A_193 = arith.constant 0 : i32
        %dma_start3A_194 = tpu.memref_slice %arg4[%dma_start3A, %dma_start3A_192, %dma_start3A_193] : memref<6x64x256xf32, #tpu.memory_space<vmem>> -> memref<1x64x256xf32, #tpu.memory_space<vmem>>
        %dma_start3A_195 = tpu.memref_squeeze %dma_start3A_194 : memref<1x64x256xf32, #tpu.memory_space<vmem>> -> memref<64x256xf32, #tpu.memory_space<vmem>>
        %dma_start3A_196 = arith.constant 0 : i32
        %dma_start3A_197 = tpu.memref_slice %arg2[%dma_start3A_196, %multiple_of3A] : memref<64x1000000xf32, #tpu.memory_space<hbm>> -> memref<64x256xf32, #tpu.memory_space<hbm>>
        tpu.enqueue_dma source(%dma_start3A_197 : memref<64x256xf32, #tpu.memory_space<hbm>>) target(%dma_start3A_195 : memref<64x256xf32, #tpu.memory_space<vmem>>) target_semaphore(%dma_start3A_191 : memref<!tpu.dma_semaphore, #tpu.memory_space<semaphore_mem>>)
      } else {
      }
      %ge3A_51 = arith.constant 1 : i32
      %ge3A_52 = arith.cmpi sge, %add3A_35, %ge3A_51 : i32
      %sub3A_53 = arith.constant 1 : i32
      %sub3A_54 = arith.subi %add3A_35, %sub3A_53 : i32
      %lt3A_55 = arith.constant 122 : i32
      %lt3A_56 = arith.cmpi slt, %sub3A_54, %lt3A_55 : i32
      %and3A_57 = arith.andi %ge3A_52, %lt3A_56 : i1
      %convert_element_type3A_58 = arith.extui %and3A_57 : i1 to i32
      %cond3A_59 = arith.constant 0 : i32
      %cond3A_60 = arith.cmpi ne, %convert_element_type3A_58, %cond3A_59 : i32
      scf.if %cond3A_60 {
        %sub3A_178 = arith.constant 1 : i32
        %sub3A_179 = arith.subi %add3A_35, %sub3A_178 : i32
        %mul3A_180 = arith.constant 122 : i32
        %mul3A_181 = arith.muli %add3A, %mul3A_180 : i32
        %add3A_182 = arith.addi %mul3A_181, %sub3A_179 : i32
        %mul3A_183 = arith.constant 256 : i32
        %mul3A_184 = arith.muli %add3A_182, %mul3A_183 : i32
        %multiple_of3A = tpu.assume_multiple %mul3A_184, 128 : i32
        %dma_wait3A = arith.constant 0 : i32
        %dma_wait3A_185 = arith.constant 0 : i32
        %dma_wait3A_186 = arith.constant 0 : i32
        %dma_wait3A_187 = arith.constant 0 : i32
        %dma_wait3A_188 = tpu.memref_slice %arg4[%dma_wait3A, %dma_wait3A_186, %dma_wait3A_187] : memref<6x64x256xf32, #tpu.memory_space<vmem>> -> memref<1x64x256xf32, #tpu.memory_space<vmem>>
        %dma_wait3A_189 = tpu.memref_squeeze %dma_wait3A_188 : memref<1x64x256xf32, #tpu.memory_space<vmem>> -> memref<64x256xf32, #tpu.memory_space<vmem>>
        %dma_wait3A_190 = arith.constant 0 : i32
        %dma_wait3A_191 = tpu.memref_slice %arg2[%dma_wait3A_190, %multiple_of3A] : memref<64x1000000xf32, #tpu.memory_space<hbm>> -> memref<64x256xf32, #tpu.memory_space<hbm>>
        %dma_wait3A_192 = tpu.memref_slice %arg5[%dma_wait3A_185] : memref<6x!tpu.dma_semaphore, #tpu.memory_space<semaphore_mem>> -> memref<1x!tpu.dma_semaphore, #tpu.memory_space<semaphore_mem>>
        %dma_wait3A_193 = tpu.memref_squeeze %dma_wait3A_192 : memref<1x!tpu.dma_semaphore, #tpu.memory_space<semaphore_mem>> -> memref<!tpu.dma_semaphore, #tpu.memory_space<semaphore_mem>>
        %dma_wait3A_194 = arith.constant 0 : i32
        %dma_wait3A_195 = arith.constant 0 : i32
        %dma_wait3A_196 = tpu.memref_slice %arg4[%dma_wait3A, %dma_wait3A_194, %dma_wait3A_195] : memref<6x64x256xf32, #tpu.memory_space<vmem>> -> memref<1x64x256xf32, #tpu.memory_space<vmem>>
        %dma_wait3A_197 = tpu.memref_squeeze %dma_wait3A_196 : memref<1x64x256xf32, #tpu.memory_space<vmem>> -> memref<64x256xf32, #tpu.memory_space<vmem>>
        %dma_wait3A_198 = arith.constant 0 : i32
        %dma_wait3A_199 = tpu.memref_slice %arg2[%dma_wait3A_198, %multiple_of3A] : memref<64x1000000xf32, #tpu.memory_space<hbm>> -> memref<64x256xf32, #tpu.memory_space<hbm>>
        tpu.wait_dma2 semaphore(%dma_wait3A_193 : memref<!tpu.dma_semaphore, #tpu.memory_space<semaphore_mem>>) src(%dma_wait3A_199 : memref<64x256xf32, #tpu.memory_space<hbm>>) dst(%dma_wait3A_197 : memref<64x256xf32, #tpu.memory_space<vmem>>)
        %dma_start3A = arith.constant 0 : i32
        %dma_start3A_200 = arith.constant 0 : i32
        %dma_start3A_201 = arith.constant 0 : i32
        %dma_start3A_202 = arith.constant 0 : i32
        %dma_start3A_203 = tpu.memref_slice %arg4[%dma_start3A, %dma_start3A_201, %dma_start3A_202] : memref<6x64x256xf32, #tpu.memory_space<vmem>> -> memref<1x64x256xf32, #tpu.memory_space<vmem>>
        %dma_start3A_204 = tpu.memref_squeeze %dma_start3A_203 : memref<1x64x256xf32, #tpu.memory_space<vmem>> -> memref<64x256xf32, #tpu.memory_space<vmem>>
        %dma_start3A_205 = arith.constant 0 : i32
        %dma_start3A_206 = tpu.memref_slice %arg3[%dma_start3A_205, %multiple_of3A] : memref<64x1000000xf32, #tpu.memory_space<hbm>> -> memref<64x256xf32, #tpu.memory_space<hbm>>
        %dma_start3A_207 = tpu.memref_slice %arg6[%dma_start3A_200] : memref<6x!tpu.dma_semaphore, #tpu.memory_space<semaphore_mem>> -> memref<1x!tpu.dma_semaphore, #tpu.memory_space<semaphore_mem>>
        %dma_start3A_208 = tpu.memref_squeeze %dma_start3A_207 : memref<1x!tpu.dma_semaphore, #tpu.memory_space<semaphore_mem>> -> memref<!tpu.dma_semaphore, #tpu.memory_space<semaphore_mem>>
        %dma_start3A_209 = arith.constant 0 : i32
        %dma_start3A_210 = tpu.memref_slice %arg3[%dma_start3A_209, %multiple_of3A] : memref<64x1000000xf32, #tpu.memory_space<hbm>> -> memref<64x256xf32, #tpu.memory_space<hbm>>
        %dma_start3A_211 = arith.constant 0 : i32
        %dma_start3A_212 = arith.constant 0 : i32
        %dma_start3A_213 = tpu.memref_slice %arg4[%dma_start3A, %dma_start3A_211, %dma_start3A_212] : memref<6x64x256xf32, #tpu.memory_space<vmem>> -> memref<1x64x256xf32, #tpu.memory_space<vmem>>
        %dma_start3A_214 = tpu.memref_squeeze %dma_start3A_213 : memref<1x64x256xf32, #tpu.memory_space<vmem>> -> memref<64x256xf32, #tpu.memory_space<vmem>>
        tpu.enqueue_dma source(%dma_start3A_214 : memref<64x256xf32, #tpu.memory_space<vmem>>) target(%dma_start3A_210 : memref<64x256xf32, #tpu.memory_space<hbm>>) target_semaphore(%dma_start3A_208 : memref<!tpu.dma_semaphore, #tpu.memory_space<semaphore_mem>>)
      } else {
      }
      %mul3A_61 = arith.constant 6 : i32
      %mul3A_62 = arith.muli %scan3A_7, %mul3A_61 : i32
      %add3A_63 = arith.constant 2 : i32
      %add3A_64 = arith.addi %mul3A_62, %add3A_63 : i32
      %ge3A_65 = arith.constant 6 : i32
      %ge3A_66 = arith.cmpi sge, %add3A_64, %ge3A_65 : i32
      %sub3A_67 = arith.constant 6 : i32
      %sub3A_68 = arith.subi %add3A_64, %sub3A_67 : i32
      %lt3A_69 = arith.constant 122 : i32
      %lt3A_70 = arith.cmpi slt, %sub3A_68, %lt3A_69 : i32
      %and3A_71 = arith.andi %ge3A_66, %lt3A_70 : i1
      %convert_element_type3A_72 = arith.extui %and3A_71 : i1 to i32
      %cond3A_73 = arith.constant 0 : i32
      %cond3A_74 = arith.cmpi ne, %convert_element_type3A_72, %cond3A_73 : i32
      scf.if %cond3A_74 {
        %sub3A_178 = arith.constant 6 : i32
        %sub3A_179 = arith.subi %add3A_64, %sub3A_178 : i32
        %mul3A_180 = arith.constant 122 : i32
        %mul3A_181 = arith.muli %add3A, %mul3A_180 : i32
        %add3A_182 = arith.addi %mul3A_181, %sub3A_179 : i32
        %mul3A_183 = arith.constant 256 : i32
        %mul3A_184 = arith.muli %add3A_182, %mul3A_183 : i32
        %multiple_of3A = tpu.assume_multiple %mul3A_184, 128 : i32
        %dma_wait3A = arith.constant 2 : i32
        %dma_wait3A_185 = arith.constant 2 : i32
        %dma_wait3A_186 = arith.constant 0 : i32
        %dma_wait3A_187 = arith.constant 0 : i32
        %dma_wait3A_188 = tpu.memref_slice %arg4[%dma_wait3A, %dma_wait3A_186, %dma_wait3A_187] : memref<6x64x256xf32, #tpu.memory_space<vmem>> -> memref<1x64x256xf32, #tpu.memory_space<vmem>>
        %dma_wait3A_189 = tpu.memref_squeeze %dma_wait3A_188 : memref<1x64x256xf32, #tpu.memory_space<vmem>> -> memref<64x256xf32, #tpu.memory_space<vmem>>
        %dma_wait3A_190 = arith.constant 0 : i32
        %dma_wait3A_191 = tpu.memref_slice %arg3[%dma_wait3A_190, %multiple_of3A] : memref<64x1000000xf32, #tpu.memory_space<hbm>> -> memref<64x256xf32, #tpu.memory_space<hbm>>
        %dma_wait3A_192 = tpu.memref_slice %arg6[%dma_wait3A_185] : memref<6x!tpu.dma_semaphore, #tpu.memory_space<semaphore_mem>> -> memref<1x!tpu.dma_semaphore, #tpu.memory_space<semaphore_mem>>
        %dma_wait3A_193 = tpu.memref_squeeze %dma_wait3A_192 : memref<1x!tpu.dma_semaphore, #tpu.memory_space<semaphore_mem>> -> memref<!tpu.dma_semaphore, #tpu.memory_space<semaphore_mem>>
        %dma_wait3A_194 = arith.constant 0 : i32
        %dma_wait3A_195 = tpu.memref_slice %arg3[%dma_wait3A_194, %multiple_of3A] : memref<64x1000000xf32, #tpu.memory_space<hbm>> -> memref<64x256xf32, #tpu.memory_space<hbm>>
        %dma_wait3A_196 = arith.constant 0 : i32
        %dma_wait3A_197 = arith.constant 0 : i32
        %dma_wait3A_198 = tpu.memref_slice %arg4[%dma_wait3A, %dma_wait3A_196, %dma_wait3A_197] : memref<6x64x256xf32, #tpu.memory_space<vmem>> -> memref<1x64x256xf32, #tpu.memory_space<vmem>>
        %dma_wait3A_199 = tpu.memref_squeeze %dma_wait3A_198 : memref<1x64x256xf32, #tpu.memory_space<vmem>> -> memref<64x256xf32, #tpu.memory_space<vmem>>
        tpu.wait_dma2 semaphore(%dma_wait3A_193 : memref<!tpu.dma_semaphore, #tpu.memory_space<semaphore_mem>>) src(%dma_wait3A_199 : memref<64x256xf32, #tpu.memory_space<vmem>>) dst(%dma_wait3A_195 : memref<64x256xf32, #tpu.memory_space<hbm>>)
      } else {
      }
      %lt3A_75 = arith.constant 122 : i32
      %lt3A_76 = arith.cmpi slt, %add3A_64, %lt3A_75 : i32
      %convert_element_type3A_77 = arith.extui %lt3A_76 : i1 to i32
      %cond3A_78 = arith.constant 0 : i32
      %cond3A_79 = arith.cmpi ne, %convert_element_type3A_77, %cond3A_78 : i32
      scf.if %cond3A_79 {
        %mul3A_178 = arith.constant 122 : i32
        %mul3A_179 = arith.muli %add3A, %mul3A_178 : i32
        %add3A_180 = arith.addi %mul3A_179, %add3A_64 : i32
        %mul3A_181 = arith.constant 256 : i32
        %mul3A_182 = arith.muli %add3A_180, %mul3A_181 : i32
        %multiple_of3A = tpu.assume_multiple %mul3A_182, 128 : i32
        %dma_start3A = arith.constant 2 : i32
        %dma_start3A_183 = arith.constant 2 : i32
        %dma_start3A_184 = arith.constant 0 : i32
        %dma_start3A_185 = arith.constant 0 : i32
        %dma_start3A_186 = tpu.memref_slice %arg4[%dma_start3A, %dma_start3A_184, %dma_start3A_185] : memref<6x64x256xf32, #tpu.memory_space<vmem>> -> memref<1x64x256xf32, #tpu.memory_space<vmem>>
        %dma_start3A_187 = tpu.memref_squeeze %dma_start3A_186 : memref<1x64x256xf32, #tpu.memory_space<vmem>> -> memref<64x256xf32, #tpu.memory_space<vmem>>
        %dma_start3A_188 = arith.constant 0 : i32
        %dma_start3A_189 = tpu.memref_slice %arg2[%dma_start3A_188, %multiple_of3A] : memref<64x1000000xf32, #tpu.memory_space<hbm>> -> memref<64x256xf32, #tpu.memory_space<hbm>>
        %dma_start3A_190 = tpu.memref_slice %arg5[%dma_start3A_183] : memref<6x!tpu.dma_semaphore, #tpu.memory_space<semaphore_mem>> -> memref<1x!tpu.dma_semaphore, #tpu.memory_space<semaphore_mem>>
        %dma_start3A_191 = tpu.memref_squeeze %dma_start3A_190 : memref<1x!tpu.dma_semaphore, #tpu.memory_space<semaphore_mem>> -> memref<!tpu.dma_semaphore, #tpu.memory_space<semaphore_mem>>
        %dma_start3A_192 = arith.constant 0 : i32
        %dma_start3A_193 = arith.constant 0 : i32
        %dma_start3A_194 = tpu.memref_slice %arg4[%dma_start3A, %dma_start3A_192, %dma_start3A_193] : memref<6x64x256xf32, #tpu.memory_space<vmem>> -> memref<1x64x256xf32, #tpu.memory_space<vmem>>
        %dma_start3A_195 = tpu.memref_squeeze %dma_start3A_194 : memref<1x64x256xf32, #tpu.memory_space<vmem>> -> memref<64x256xf32, #tpu.memory_space<vmem>>
        %dma_start3A_196 = arith.constant 0 : i32
        %dma_start3A_197 = tpu.memref_slice %arg2[%dma_start3A_196, %multiple_of3A] : memref<64x1000000xf32, #tpu.memory_space<hbm>> -> memref<64x256xf32, #tpu.memory_space<hbm>>
        tpu.enqueue_dma source(%dma_start3A_197 : memref<64x256xf32, #tpu.memory_space<hbm>>) target(%dma_start3A_195 : memref<64x256xf32, #tpu.memory_space<vmem>>) target_semaphore(%dma_start3A_191 : memref<!tpu.dma_semaphore, #tpu.memory_space<semaphore_mem>>)
      } else {
      }
      %ge3A_80 = arith.constant 1 : i32
      %ge3A_81 = arith.cmpi sge, %add3A_64, %ge3A_80 : i32
      %sub3A_82 = arith.constant 1 : i32
      %sub3A_83 = arith.subi %add3A_64, %sub3A_82 : i32
      %lt3A_84 = arith.constant 122 : i32
      %lt3A_85 = arith.cmpi slt, %sub3A_83, %lt3A_84 : i32
      %and3A_86 = arith.andi %ge3A_81, %lt3A_85 : i1
      %convert_element_type3A_87 = arith.extui %and3A_86 : i1 to i32
      %cond3A_88 = arith.constant 0 : i32
      %cond3A_89 = arith.cmpi ne, %convert_element_type3A_87, %cond3A_88 : i32
      scf.if %cond3A_89 {
        %sub3A_178 = arith.constant 1 : i32
        %sub3A_179 = arith.subi %add3A_64, %sub3A_178 : i32
        %mul3A_180 = arith.constant 122 : i32
        %mul3A_181 = arith.muli %add3A, %mul3A_180 : i32
        %add3A_182 = arith.addi %mul3A_181, %sub3A_179 : i32
        %mul3A_183 = arith.constant 256 : i32
        %mul3A_184 = arith.muli %add3A_182, %mul3A_183 : i32
        %multiple_of3A = tpu.assume_multiple %mul3A_184, 128 : i32
        %dma_wait3A = arith.constant 1 : i32
        %dma_wait3A_185 = arith.constant 1 : i32
        %dma_wait3A_186 = arith.constant 0 : i32
        %dma_wait3A_187 = arith.constant 0 : i32
        %dma_wait3A_188 = tpu.memref_slice %arg4[%dma_wait3A, %dma_wait3A_186, %dma_wait3A_187] : memref<6x64x256xf32, #tpu.memory_space<vmem>> -> memref<1x64x256xf32, #tpu.memory_space<vmem>>
        %dma_wait3A_189 = tpu.memref_squeeze %dma_wait3A_188 : memref<1x64x256xf32, #tpu.memory_space<vmem>> -> memref<64x256xf32, #tpu.memory_space<vmem>>
        %dma_wait3A_190 = arith.constant 0 : i32
        %dma_wait3A_191 = tpu.memref_slice %arg2[%dma_wait3A_190, %multiple_of3A] : memref<64x1000000xf32, #tpu.memory_space<hbm>> -> memref<64x256xf32, #tpu.memory_space<hbm>>
        %dma_wait3A_192 = tpu.memref_slice %arg5[%dma_wait3A_185] : memref<6x!tpu.dma_semaphore, #tpu.memory_space<semaphore_mem>> -> memref<1x!tpu.dma_semaphore, #tpu.memory_space<semaphore_mem>>
        %dma_wait3A_193 = tpu.memref_squeeze %dma_wait3A_192 : memref<1x!tpu.dma_semaphore, #tpu.memory_space<semaphore_mem>> -> memref<!tpu.dma_semaphore, #tpu.memory_space<semaphore_mem>>
        %dma_wait3A_194 = arith.constant 0 : i32
        %dma_wait3A_195 = arith.constant 0 : i32
        %dma_wait3A_196 = tpu.memref_slice %arg4[%dma_wait3A, %dma_wait3A_194, %dma_wait3A_195] : memref<6x64x256xf32, #tpu.memory_space<vmem>> -> memref<1x64x256xf32, #tpu.memory_space<vmem>>
        %dma_wait3A_197 = tpu.memref_squeeze %dma_wait3A_196 : memref<1x64x256xf32, #tpu.memory_space<vmem>> -> memref<64x256xf32, #tpu.memory_space<vmem>>
        %dma_wait3A_198 = arith.constant 0 : i32
        %dma_wait3A_199 = tpu.memref_slice %arg2[%dma_wait3A_198, %multiple_of3A] : memref<64x1000000xf32, #tpu.memory_space<hbm>> -> memref<64x256xf32, #tpu.memory_space<hbm>>
        tpu.wait_dma2 semaphore(%dma_wait3A_193 : memref<!tpu.dma_semaphore, #tpu.memory_space<semaphore_mem>>) src(%dma_wait3A_199 : memref<64x256xf32, #tpu.memory_space<hbm>>) dst(%dma_wait3A_197 : memref<64x256xf32, #tpu.memory_space<vmem>>)
        %dma_start3A = arith.constant 1 : i32
        %dma_start3A_200 = arith.constant 1 : i32
        %dma_start3A_201 = arith.constant 0 : i32
        %dma_start3A_202 = arith.constant 0 : i32
        %dma_start3A_203 = tpu.memref_slice %arg4[%dma_start3A, %dma_start3A_201, %dma_start3A_202] : memref<6x64x256xf32, #tpu.memory_space<vmem>> -> memref<1x64x256xf32, #tpu.memory_space<vmem>>
        %dma_start3A_204 = tpu.memref_squeeze %dma_start3A_203 : memref<1x64x256xf32, #tpu.memory_space<vmem>> -> memref<64x256xf32, #tpu.memory_space<vmem>>
        %dma_start3A_205 = arith.constant 0 : i32
        %dma_start3A_206 = tpu.memref_slice %arg3[%dma_start3A_205, %multiple_of3A] : memref<64x1000000xf32, #tpu.memory_space<hbm>> -> memref<64x256xf32, #tpu.memory_space<hbm>>
        %dma_start3A_207 = tpu.memref_slice %arg6[%dma_start3A_200] : memref<6x!tpu.dma_semaphore, #tpu.memory_space<semaphore_mem>> -> memref<1x!tpu.dma_semaphore, #tpu.memory_space<semaphore_mem>>
        %dma_start3A_208 = tpu.memref_squeeze %dma_start3A_207 : memref<1x!tpu.dma_semaphore, #tpu.memory_space<semaphore_mem>> -> memref<!tpu.dma_semaphore, #tpu.memory_space<semaphore_mem>>
        %dma_start3A_209 = arith.constant 0 : i32
        %dma_start3A_210 = tpu.memref_slice %arg3[%dma_start3A_209, %multiple_of3A] : memref<64x1000000xf32, #tpu.memory_space<hbm>> -> memref<64x256xf32, #tpu.memory_space<hbm>>
        %dma_start3A_211 = arith.constant 0 : i32
        %dma_start3A_212 = arith.constant 0 : i32
        %dma_start3A_213 = tpu.memref_slice %arg4[%dma_start3A, %dma_start3A_211, %dma_start3A_212] : memref<6x64x256xf32, #tpu.memory_space<vmem>> -> memref<1x64x256xf32, #tpu.memory_space<vmem>>
        %dma_start3A_214 = tpu.memref_squeeze %dma_start3A_213 : memref<1x64x256xf32, #tpu.memory_space<vmem>> -> memref<64x256xf32, #tpu.memory_space<vmem>>
        tpu.enqueue_dma source(%dma_start3A_214 : memref<64x256xf32, #tpu.memory_space<vmem>>) target(%dma_start3A_210 : memref<64x256xf32, #tpu.memory_space<hbm>>) target_semaphore(%dma_start3A_208 : memref<!tpu.dma_semaphore, #tpu.memory_space<semaphore_mem>>)
      } else {
      }
      %mul3A_90 = arith.constant 6 : i32
      %mul3A_91 = arith.muli %scan3A_7, %mul3A_90 : i32
      %add3A_92 = arith.constant 3 : i32
      %add3A_93 = arith.addi %mul3A_91, %add3A_92 : i32
      %ge3A_94 = arith.constant 6 : i32
      %ge3A_95 = arith.cmpi sge, %add3A_93, %ge3A_94 : i32
      %sub3A_96 = arith.constant 6 : i32
      %sub3A_97 = arith.subi %add3A_93, %sub3A_96 : i32
      %lt3A_98 = arith.constant 122 : i32
      %lt3A_99 = arith.cmpi slt, %sub3A_97, %lt3A_98 : i32
      %and3A_100 = arith.andi %ge3A_95, %lt3A_99 : i1
      %convert_element_type3A_101 = arith.extui %and3A_100 : i1 to i32
      %cond3A_102 = arith.constant 0 : i32
      %cond3A_103 = arith.cmpi ne, %convert_element_type3A_101, %cond3A_102 : i32
      scf.if %cond3A_103 {
        %sub3A_178 = arith.constant 6 : i32
        %sub3A_179 = arith.subi %add3A_93, %sub3A_178 : i32
        %mul3A_180 = arith.constant 122 : i32
        %mul3A_181 = arith.muli %add3A, %mul3A_180 : i32
        %add3A_182 = arith.addi %mul3A_181, %sub3A_179 : i32
        %mul3A_183 = arith.constant 256 : i32
        %mul3A_184 = arith.muli %add3A_182, %mul3A_183 : i32
        %multiple_of3A = tpu.assume_multiple %mul3A_184, 128 : i32
        %dma_wait3A = arith.constant 3 : i32
        %dma_wait3A_185 = arith.constant 3 : i32
        %dma_wait3A_186 = arith.constant 0 : i32
        %dma_wait3A_187 = arith.constant 0 : i32
        %dma_wait3A_188 = tpu.memref_slice %arg4[%dma_wait3A, %dma_wait3A_186, %dma_wait3A_187] : memref<6x64x256xf32, #tpu.memory_space<vmem>> -> memref<1x64x256xf32, #tpu.memory_space<vmem>>
        %dma_wait3A_189 = tpu.memref_squeeze %dma_wait3A_188 : memref<1x64x256xf32, #tpu.memory_space<vmem>> -> memref<64x256xf32, #tpu.memory_space<vmem>>
        %dma_wait3A_190 = arith.constant 0 : i32
        %dma_wait3A_191 = tpu.memref_slice %arg3[%dma_wait3A_190, %multiple_of3A] : memref<64x1000000xf32, #tpu.memory_space<hbm>> -> memref<64x256xf32, #tpu.memory_space<hbm>>
        %dma_wait3A_192 = tpu.memref_slice %arg6[%dma_wait3A_185] : memref<6x!tpu.dma_semaphore, #tpu.memory_space<semaphore_mem>> -> memref<1x!tpu.dma_semaphore, #tpu.memory_space<semaphore_mem>>
        %dma_wait3A_193 = tpu.memref_squeeze %dma_wait3A_192 : memref<1x!tpu.dma_semaphore, #tpu.memory_space<semaphore_mem>> -> memref<!tpu.dma_semaphore, #tpu.memory_space<semaphore_mem>>
        %dma_wait3A_194 = arith.constant 0 : i32
        %dma_wait3A_195 = tpu.memref_slice %arg3[%dma_wait3A_194, %multiple_of3A] : memref<64x1000000xf32, #tpu.memory_space<hbm>> -> memref<64x256xf32, #tpu.memory_space<hbm>>
        %dma_wait3A_196 = arith.constant 0 : i32
        %dma_wait3A_197 = arith.constant 0 : i32
        %dma_wait3A_198 = tpu.memref_slice %arg4[%dma_wait3A, %dma_wait3A_196, %dma_wait3A_197] : memref<6x64x256xf32, #tpu.memory_space<vmem>> -> memref<1x64x256xf32, #tpu.memory_space<vmem>>
        %dma_wait3A_199 = tpu.memref_squeeze %dma_wait3A_198 : memref<1x64x256xf32, #tpu.memory_space<vmem>> -> memref<64x256xf32, #tpu.memory_space<vmem>>
        tpu.wait_dma2 semaphore(%dma_wait3A_193 : memref<!tpu.dma_semaphore, #tpu.memory_space<semaphore_mem>>) src(%dma_wait3A_199 : memref<64x256xf32, #tpu.memory_space<vmem>>) dst(%dma_wait3A_195 : memref<64x256xf32, #tpu.memory_space<hbm>>)
      } else {
      }
      %lt3A_104 = arith.constant 122 : i32
      %lt3A_105 = arith.cmpi slt, %add3A_93, %lt3A_104 : i32
      %convert_element_type3A_106 = arith.extui %lt3A_105 : i1 to i32
      %cond3A_107 = arith.constant 0 : i32
      %cond3A_108 = arith.cmpi ne, %convert_element_type3A_106, %cond3A_107 : i32
      scf.if %cond3A_108 {
        %mul3A_178 = arith.constant 122 : i32
        %mul3A_179 = arith.muli %add3A, %mul3A_178 : i32
        %add3A_180 = arith.addi %mul3A_179, %add3A_93 : i32
        %mul3A_181 = arith.constant 256 : i32
        %mul3A_182 = arith.muli %add3A_180, %mul3A_181 : i32
        %multiple_of3A = tpu.assume_multiple %mul3A_182, 128 : i32
        %dma_start3A = arith.constant 3 : i32
        %dma_start3A_183 = arith.constant 3 : i32
        %dma_start3A_184 = arith.constant 0 : i32
        %dma_start3A_185 = arith.constant 0 : i32
        %dma_start3A_186 = tpu.memref_slice %arg4[%dma_start3A, %dma_start3A_184, %dma_start3A_185] : memref<6x64x256xf32, #tpu.memory_space<vmem>> -> memref<1x64x256xf32, #tpu.memory_space<vmem>>
        %dma_start3A_187 = tpu.memref_squeeze %dma_start3A_186 : memref<1x64x256xf32, #tpu.memory_space<vmem>> -> memref<64x256xf32, #tpu.memory_space<vmem>>
        %dma_start3A_188 = arith.constant 0 : i32
        %dma_start3A_189 = tpu.memref_slice %arg2[%dma_start3A_188, %multiple_of3A] : memref<64x1000000xf32, #tpu.memory_space<hbm>> -> memref<64x256xf32, #tpu.memory_space<hbm>>
        %dma_start3A_190 = tpu.memref_slice %arg5[%dma_start3A_183] : memref<6x!tpu.dma_semaphore, #tpu.memory_space<semaphore_mem>> -> memref<1x!tpu.dma_semaphore, #tpu.memory_space<semaphore_mem>>
        %dma_start3A_191 = tpu.memref_squeeze %dma_start3A_190 : memref<1x!tpu.dma_semaphore, #tpu.memory_space<semaphore_mem>> -> memref<!tpu.dma_semaphore, #tpu.memory_space<semaphore_mem>>
        %dma_start3A_192 = arith.constant 0 : i32
        %dma_start3A_193 = arith.constant 0 : i32
        %dma_start3A_194 = tpu.memref_slice %arg4[%dma_start3A, %dma_start3A_192, %dma_start3A_193] : memref<6x64x256xf32, #tpu.memory_space<vmem>> -> memref<1x64x256xf32, #tpu.memory_space<vmem>>
        %dma_start3A_195 = tpu.memref_squeeze %dma_start3A_194 : memref<1x64x256xf32, #tpu.memory_space<vmem>> -> memref<64x256xf32, #tpu.memory_space<vmem>>
        %dma_start3A_196 = arith.constant 0 : i32
        %dma_start3A_197 = tpu.memref_slice %arg2[%dma_start3A_196, %multiple_of3A] : memref<64x1000000xf32, #tpu.memory_space<hbm>> -> memref<64x256xf32, #tpu.memory_space<hbm>>
        tpu.enqueue_dma source(%dma_start3A_197 : memref<64x256xf32, #tpu.memory_space<hbm>>) target(%dma_start3A_195 : memref<64x256xf32, #tpu.memory_space<vmem>>) target_semaphore(%dma_start3A_191 : memref<!tpu.dma_semaphore, #tpu.memory_space<semaphore_mem>>)
      } else {
      }
      %ge3A_109 = arith.constant 1 : i32
      %ge3A_110 = arith.cmpi sge, %add3A_93, %ge3A_109 : i32
      %sub3A_111 = arith.constant 1 : i32
      %sub3A_112 = arith.subi %add3A_93, %sub3A_111 : i32
      %lt3A_113 = arith.constant 122 : i32
      %lt3A_114 = arith.cmpi slt, %sub3A_112, %lt3A_113 : i32
      %and3A_115 = arith.andi %ge3A_110, %lt3A_114 : i1
      %convert_element_type3A_116 = arith.extui %and3A_115 : i1 to i32
      %cond3A_117 = arith.constant 0 : i32
      %cond3A_118 = arith.cmpi ne, %convert_element_type3A_116, %cond3A_117 : i32
      scf.if %cond3A_118 {
        %sub3A_178 = arith.constant 1 : i32
        %sub3A_179 = arith.subi %add3A_93, %sub3A_178 : i32
        %mul3A_180 = arith.constant 122 : i32
        %mul3A_181 = arith.muli %add3A, %mul3A_180 : i32
        %add3A_182 = arith.addi %mul3A_181, %sub3A_179 : i32
        %mul3A_183 = arith.constant 256 : i32
        %mul3A_184 = arith.muli %add3A_182, %mul3A_183 : i32
        %multiple_of3A = tpu.assume_multiple %mul3A_184, 128 : i32
        %dma_wait3A = arith.constant 2 : i32
        %dma_wait3A_185 = arith.constant 2 : i32
        %dma_wait3A_186 = arith.constant 0 : i32
        %dma_wait3A_187 = arith.constant 0 : i32
        %dma_wait3A_188 = tpu.memref_slice %arg4[%dma_wait3A, %dma_wait3A_186, %dma_wait3A_187] : memref<6x64x256xf32, #tpu.memory_space<vmem>> -> memref<1x64x256xf32, #tpu.memory_space<vmem>>
        %dma_wait3A_189 = tpu.memref_squeeze %dma_wait3A_188 : memref<1x64x256xf32, #tpu.memory_space<vmem>> -> memref<64x256xf32, #tpu.memory_space<vmem>>
        %dma_wait3A_190 = arith.constant 0 : i32
        %dma_wait3A_191 = tpu.memref_slice %arg2[%dma_wait3A_190, %multiple_of3A] : memref<64x1000000xf32, #tpu.memory_space<hbm>> -> memref<64x256xf32, #tpu.memory_space<hbm>>
        %dma_wait3A_192 = tpu.memref_slice %arg5[%dma_wait3A_185] : memref<6x!tpu.dma_semaphore, #tpu.memory_space<semaphore_mem>> -> memref<1x!tpu.dma_semaphore, #tpu.memory_space<semaphore_mem>>
        %dma_wait3A_193 = tpu.memref_squeeze %dma_wait3A_192 : memref<1x!tpu.dma_semaphore, #tpu.memory_space<semaphore_mem>> -> memref<!tpu.dma_semaphore, #tpu.memory_space<semaphore_mem>>
        %dma_wait3A_194 = arith.constant 0 : i32
        %dma_wait3A_195 = arith.constant 0 : i32
        %dma_wait3A_196 = tpu.memref_slice %arg4[%dma_wait3A, %dma_wait3A_194, %dma_wait3A_195] : memref<6x64x256xf32, #tpu.memory_space<vmem>> -> memref<1x64x256xf32, #tpu.memory_space<vmem>>
        %dma_wait3A_197 = tpu.memref_squeeze %dma_wait3A_196 : memref<1x64x256xf32, #tpu.memory_space<vmem>> -> memref<64x256xf32, #tpu.memory_space<vmem>>
        %dma_wait3A_198 = arith.constant 0 : i32
        %dma_wait3A_199 = tpu.memref_slice %arg2[%dma_wait3A_198, %multiple_of3A] : memref<64x1000000xf32, #tpu.memory_space<hbm>> -> memref<64x256xf32, #tpu.memory_space<hbm>>
        tpu.wait_dma2 semaphore(%dma_wait3A_193 : memref<!tpu.dma_semaphore, #tpu.memory_space<semaphore_mem>>) src(%dma_wait3A_199 : memref<64x256xf32, #tpu.memory_space<hbm>>) dst(%dma_wait3A_197 : memref<64x256xf32, #tpu.memory_space<vmem>>)
        %dma_start3A = arith.constant 2 : i32
        %dma_start3A_200 = arith.constant 2 : i32
        %dma_start3A_201 = arith.constant 0 : i32
        %dma_start3A_202 = arith.constant 0 : i32
        %dma_start3A_203 = tpu.memref_slice %arg4[%dma_start3A, %dma_start3A_201, %dma_start3A_202] : memref<6x64x256xf32, #tpu.memory_space<vmem>> -> memref<1x64x256xf32, #tpu.memory_space<vmem>>
        %dma_start3A_204 = tpu.memref_squeeze %dma_start3A_203 : memref<1x64x256xf32, #tpu.memory_space<vmem>> -> memref<64x256xf32, #tpu.memory_space<vmem>>
        %dma_start3A_205 = arith.constant 0 : i32
        %dma_start3A_206 = tpu.memref_slice %arg3[%dma_start3A_205, %multiple_of3A] : memref<64x1000000xf32, #tpu.memory_space<hbm>> -> memref<64x256xf32, #tpu.memory_space<hbm>>
        %dma_start3A_207 = tpu.memref_slice %arg6[%dma_start3A_200] : memref<6x!tpu.dma_semaphore, #tpu.memory_space<semaphore_mem>> -> memref<1x!tpu.dma_semaphore, #tpu.memory_space<semaphore_mem>>
        %dma_start3A_208 = tpu.memref_squeeze %dma_start3A_207 : memref<1x!tpu.dma_semaphore, #tpu.memory_space<semaphore_mem>> -> memref<!tpu.dma_semaphore, #tpu.memory_space<semaphore_mem>>
        %dma_start3A_209 = arith.constant 0 : i32
        %dma_start3A_210 = tpu.memref_slice %arg3[%dma_start3A_209, %multiple_of3A] : memref<64x1000000xf32, #tpu.memory_space<hbm>> -> memref<64x256xf32, #tpu.memory_space<hbm>>
        %dma_start3A_211 = arith.constant 0 : i32
        %dma_start3A_212 = arith.constant 0 : i32
        %dma_start3A_213 = tpu.memref_slice %arg4[%dma_start3A, %dma_start3A_211, %dma_start3A_212] : memref<6x64x256xf32, #tpu.memory_space<vmem>> -> memref<1x64x256xf32, #tpu.memory_space<vmem>>
        %dma_start3A_214 = tpu.memref_squeeze %dma_start3A_213 : memref<1x64x256xf32, #tpu.memory_space<vmem>> -> memref<64x256xf32, #tpu.memory_space<vmem>>
        tpu.enqueue_dma source(%dma_start3A_214 : memref<64x256xf32, #tpu.memory_space<vmem>>) target(%dma_start3A_210 : memref<64x256xf32, #tpu.memory_space<hbm>>) target_semaphore(%dma_start3A_208 : memref<!tpu.dma_semaphore, #tpu.memory_space<semaphore_mem>>)
      } else {
      }
      %mul3A_119 = arith.constant 6 : i32
      %mul3A_120 = arith.muli %scan3A_7, %mul3A_119 : i32
      %add3A_121 = arith.constant 4 : i32
      %add3A_122 = arith.addi %mul3A_120, %add3A_121 : i32
      %ge3A_123 = arith.constant 6 : i32
      %ge3A_124 = arith.cmpi sge, %add3A_122, %ge3A_123 : i32
      %sub3A_125 = arith.constant 6 : i32
      %sub3A_126 = arith.subi %add3A_122, %sub3A_125 : i32
      %lt3A_127 = arith.constant 122 : i32
      %lt3A_128 = arith.cmpi slt, %sub3A_126, %lt3A_127 : i32
      %and3A_129 = arith.andi %ge3A_124, %lt3A_128 : i1
      %convert_element_type3A_130 = arith.extui %and3A_129 : i1 to i32
      %cond3A_131 = arith.constant 0 : i32
      %cond3A_132 = arith.cmpi ne, %convert_element_type3A_130, %cond3A_131 : i32
      scf.if %cond3A_132 {
        %sub3A_178 = arith.constant 6 : i32
        %sub3A_179 = arith.subi %add3A_122, %sub3A_178 : i32
        %mul3A_180 = arith.constant 122 : i32
        %mul3A_181 = arith.muli %add3A, %mul3A_180 : i32
        %add3A_182 = arith.addi %mul3A_181, %sub3A_179 : i32
        %mul3A_183 = arith.constant 256 : i32
        %mul3A_184 = arith.muli %add3A_182, %mul3A_183 : i32
        %multiple_of3A = tpu.assume_multiple %mul3A_184, 128 : i32
        %dma_wait3A = arith.constant 4 : i32
        %dma_wait3A_185 = arith.constant 4 : i32
        %dma_wait3A_186 = arith.constant 0 : i32
        %dma_wait3A_187 = arith.constant 0 : i32
        %dma_wait3A_188 = tpu.memref_slice %arg4[%dma_wait3A, %dma_wait3A_186, %dma_wait3A_187] : memref<6x64x256xf32, #tpu.memory_space<vmem>> -> memref<1x64x256xf32, #tpu.memory_space<vmem>>
        %dma_wait3A_189 = tpu.memref_squeeze %dma_wait3A_188 : memref<1x64x256xf32, #tpu.memory_space<vmem>> -> memref<64x256xf32, #tpu.memory_space<vmem>>
        %dma_wait3A_190 = arith.constant 0 : i32
        %dma_wait3A_191 = tpu.memref_slice %arg3[%dma_wait3A_190, %multiple_of3A] : memref<64x1000000xf32, #tpu.memory_space<hbm>> -> memref<64x256xf32, #tpu.memory_space<hbm>>
        %dma_wait3A_192 = tpu.memref_slice %arg6[%dma_wait3A_185] : memref<6x!tpu.dma_semaphore, #tpu.memory_space<semaphore_mem>> -> memref<1x!tpu.dma_semaphore, #tpu.memory_space<semaphore_mem>>
        %dma_wait3A_193 = tpu.memref_squeeze %dma_wait3A_192 : memref<1x!tpu.dma_semaphore, #tpu.memory_space<semaphore_mem>> -> memref<!tpu.dma_semaphore, #tpu.memory_space<semaphore_mem>>
        %dma_wait3A_194 = arith.constant 0 : i32
        %dma_wait3A_195 = tpu.memref_slice %arg3[%dma_wait3A_194, %multiple_of3A] : memref<64x1000000xf32, #tpu.memory_space<hbm>> -> memref<64x256xf32, #tpu.memory_space<hbm>>
        %dma_wait3A_196 = arith.constant 0 : i32
        %dma_wait3A_197 = arith.constant 0 : i32
        %dma_wait3A_198 = tpu.memref_slice %arg4[%dma_wait3A, %dma_wait3A_196, %dma_wait3A_197] : memref<6x64x256xf32, #tpu.memory_space<vmem>> -> memref<1x64x256xf32, #tpu.memory_space<vmem>>
        %dma_wait3A_199 = tpu.memref_squeeze %dma_wait3A_198 : memref<1x64x256xf32, #tpu.memory_space<vmem>> -> memref<64x256xf32, #tpu.memory_space<vmem>>
        tpu.wait_dma2 semaphore(%dma_wait3A_193 : memref<!tpu.dma_semaphore, #tpu.memory_space<semaphore_mem>>) src(%dma_wait3A_199 : memref<64x256xf32, #tpu.memory_space<vmem>>) dst(%dma_wait3A_195 : memref<64x256xf32, #tpu.memory_space<hbm>>)
      } else {
      }
      %lt3A_133 = arith.constant 122 : i32
      %lt3A_134 = arith.cmpi slt, %add3A_122, %lt3A_133 : i32
      %convert_element_type3A_135 = arith.extui %lt3A_134 : i1 to i32
      %cond3A_136 = arith.constant 0 : i32
      %cond3A_137 = arith.cmpi ne, %convert_element_type3A_135, %cond3A_136 : i32
      scf.if %cond3A_137 {
        %mul3A_178 = arith.constant 122 : i32
        %mul3A_179 = arith.muli %add3A, %mul3A_178 : i32
        %add3A_180 = arith.addi %mul3A_179, %add3A_122 : i32
        %mul3A_181 = arith.constant 256 : i32
        %mul3A_182 = arith.muli %add3A_180, %mul3A_181 : i32
        %multiple_of3A = tpu.assume_multiple %mul3A_182, 128 : i32
        %dma_start3A = arith.constant 4 : i32
        %dma_start3A_183 = arith.constant 4 : i32
        %dma_start3A_184 = arith.constant 0 : i32
        %dma_start3A_185 = arith.constant 0 : i32
        %dma_start3A_186 = tpu.memref_slice %arg4[%dma_start3A, %dma_start3A_184, %dma_start3A_185] : memref<6x64x256xf32, #tpu.memory_space<vmem>> -> memref<1x64x256xf32, #tpu.memory_space<vmem>>
        %dma_start3A_187 = tpu.memref_squeeze %dma_start3A_186 : memref<1x64x256xf32, #tpu.memory_space<vmem>> -> memref<64x256xf32, #tpu.memory_space<vmem>>
        %dma_start3A_188 = arith.constant 0 : i32
        %dma_start3A_189 = tpu.memref_slice %arg2[%dma_start3A_188, %multiple_of3A] : memref<64x1000000xf32, #tpu.memory_space<hbm>> -> memref<64x256xf32, #tpu.memory_space<hbm>>
        %dma_start3A_190 = tpu.memref_slice %arg5[%dma_start3A_183] : memref<6x!tpu.dma_semaphore, #tpu.memory_space<semaphore_mem>> -> memref<1x!tpu.dma_semaphore, #tpu.memory_space<semaphore_mem>>
        %dma_start3A_191 = tpu.memref_squeeze %dma_start3A_190 : memref<1x!tpu.dma_semaphore, #tpu.memory_space<semaphore_mem>> -> memref<!tpu.dma_semaphore, #tpu.memory_space<semaphore_mem>>
        %dma_start3A_192 = arith.constant 0 : i32
        %dma_start3A_193 = arith.constant 0 : i32
        %dma_start3A_194 = tpu.memref_slice %arg4[%dma_start3A, %dma_start3A_192, %dma_start3A_193] : memref<6x64x256xf32, #tpu.memory_space<vmem>> -> memref<1x64x256xf32, #tpu.memory_space<vmem>>
        %dma_start3A_195 = tpu.memref_squeeze %dma_start3A_194 : memref<1x64x256xf32, #tpu.memory_space<vmem>> -> memref<64x256xf32, #tpu.memory_space<vmem>>
        %dma_start3A_196 = arith.constant 0 : i32
        %dma_start3A_197 = tpu.memref_slice %arg2[%dma_start3A_196, %multiple_of3A] : memref<64x1000000xf32, #tpu.memory_space<hbm>> -> memref<64x256xf32, #tpu.memory_space<hbm>>
        tpu.enqueue_dma source(%dma_start3A_197 : memref<64x256xf32, #tpu.memory_space<hbm>>) target(%dma_start3A_195 : memref<64x256xf32, #tpu.memory_space<vmem>>) target_semaphore(%dma_start3A_191 : memref<!tpu.dma_semaphore, #tpu.memory_space<semaphore_mem>>)
      } else {
      }
      %ge3A_138 = arith.constant 1 : i32
      %ge3A_139 = arith.cmpi sge, %add3A_122, %ge3A_138 : i32
      %sub3A_140 = arith.constant 1 : i32
      %sub3A_141 = arith.subi %add3A_122, %sub3A_140 : i32
      %lt3A_142 = arith.constant 122 : i32
      %lt3A_143 = arith.cmpi slt, %sub3A_141, %lt3A_142 : i32
      %and3A_144 = arith.andi %ge3A_139, %lt3A_143 : i1
      %convert_element_type3A_145 = arith.extui %and3A_144 : i1 to i32
      %cond3A_146 = arith.constant 0 : i32
      %cond3A_147 = arith.cmpi ne, %convert_element_type3A_145, %cond3A_146 : i32
      scf.if %cond3A_147 {
        %sub3A_178 = arith.constant 1 : i32
        %sub3A_179 = arith.subi %add3A_122, %sub3A_178 : i32
        %mul3A_180 = arith.constant 122 : i32
        %mul3A_181 = arith.muli %add3A, %mul3A_180 : i32
        %add3A_182 = arith.addi %mul3A_181, %sub3A_179 : i32
        %mul3A_183 = arith.constant 256 : i32
        %mul3A_184 = arith.muli %add3A_182, %mul3A_183 : i32
        %multiple_of3A = tpu.assume_multiple %mul3A_184, 128 : i32
        %dma_wait3A = arith.constant 3 : i32
        %dma_wait3A_185 = arith.constant 3 : i32
        %dma_wait3A_186 = arith.constant 0 : i32
        %dma_wait3A_187 = arith.constant 0 : i32
        %dma_wait3A_188 = tpu.memref_slice %arg4[%dma_wait3A, %dma_wait3A_186, %dma_wait3A_187] : memref<6x64x256xf32, #tpu.memory_space<vmem>> -> memref<1x64x256xf32, #tpu.memory_space<vmem>>
        %dma_wait3A_189 = tpu.memref_squeeze %dma_wait3A_188 : memref<1x64x256xf32, #tpu.memory_space<vmem>> -> memref<64x256xf32, #tpu.memory_space<vmem>>
        %dma_wait3A_190 = arith.constant 0 : i32
        %dma_wait3A_191 = tpu.memref_slice %arg2[%dma_wait3A_190, %multiple_of3A] : memref<64x1000000xf32, #tpu.memory_space<hbm>> -> memref<64x256xf32, #tpu.memory_space<hbm>>
        %dma_wait3A_192 = tpu.memref_slice %arg5[%dma_wait3A_185] : memref<6x!tpu.dma_semaphore, #tpu.memory_space<semaphore_mem>> -> memref<1x!tpu.dma_semaphore, #tpu.memory_space<semaphore_mem>>
        %dma_wait3A_193 = tpu.memref_squeeze %dma_wait3A_192 : memref<1x!tpu.dma_semaphore, #tpu.memory_space<semaphore_mem>> -> memref<!tpu.dma_semaphore, #tpu.memory_space<semaphore_mem>>
        %dma_wait3A_194 = arith.constant 0 : i32
        %dma_wait3A_195 = arith.constant 0 : i32
        %dma_wait3A_196 = tpu.memref_slice %arg4[%dma_wait3A, %dma_wait3A_194, %dma_wait3A_195] : memref<6x64x256xf32, #tpu.memory_space<vmem>> -> memref<1x64x256xf32, #tpu.memory_space<vmem>>
        %dma_wait3A_197 = tpu.memref_squeeze %dma_wait3A_196 : memref<1x64x256xf32, #tpu.memory_space<vmem>> -> memref<64x256xf32, #tpu.memory_space<vmem>>
        %dma_wait3A_198 = arith.constant 0 : i32
        %dma_wait3A_199 = tpu.memref_slice %arg2[%dma_wait3A_198, %multiple_of3A] : memref<64x1000000xf32, #tpu.memory_space<hbm>> -> memref<64x256xf32, #tpu.memory_space<hbm>>
        tpu.wait_dma2 semaphore(%dma_wait3A_193 : memref<!tpu.dma_semaphore, #tpu.memory_space<semaphore_mem>>) src(%dma_wait3A_199 : memref<64x256xf32, #tpu.memory_space<hbm>>) dst(%dma_wait3A_197 : memref<64x256xf32, #tpu.memory_space<vmem>>)
        %dma_start3A = arith.constant 3 : i32
        %dma_start3A_200 = arith.constant 3 : i32
        %dma_start3A_201 = arith.constant 0 : i32
        %dma_start3A_202 = arith.constant 0 : i32
        %dma_start3A_203 = tpu.memref_slice %arg4[%dma_start3A, %dma_start3A_201, %dma_start3A_202] : memref<6x64x256xf32, #tpu.memory_space<vmem>> -> memref<1x64x256xf32, #tpu.memory_space<vmem>>
        %dma_start3A_204 = tpu.memref_squeeze %dma_start3A_203 : memref<1x64x256xf32, #tpu.memory_space<vmem>> -> memref<64x256xf32, #tpu.memory_space<vmem>>
        %dma_start3A_205 = arith.constant 0 : i32
        %dma_start3A_206 = tpu.memref_slice %arg3[%dma_start3A_205, %multiple_of3A] : memref<64x1000000xf32, #tpu.memory_space<hbm>> -> memref<64x256xf32, #tpu.memory_space<hbm>>
        %dma_start3A_207 = tpu.memref_slice %arg6[%dma_start3A_200] : memref<6x!tpu.dma_semaphore, #tpu.memory_space<semaphore_mem>> -> memref<1x!tpu.dma_semaphore, #tpu.memory_space<semaphore_mem>>
        %dma_start3A_208 = tpu.memref_squeeze %dma_start3A_207 : memref<1x!tpu.dma_semaphore, #tpu.memory_space<semaphore_mem>> -> memref<!tpu.dma_semaphore, #tpu.memory_space<semaphore_mem>>
        %dma_start3A_209 = arith.constant 0 : i32
        %dma_start3A_210 = tpu.memref_slice %arg3[%dma_start3A_209, %multiple_of3A] : memref<64x1000000xf32, #tpu.memory_space<hbm>> -> memref<64x256xf32, #tpu.memory_space<hbm>>
        %dma_start3A_211 = arith.constant 0 : i32
        %dma_start3A_212 = arith.constant 0 : i32
        %dma_start3A_213 = tpu.memref_slice %arg4[%dma_start3A, %dma_start3A_211, %dma_start3A_212] : memref<6x64x256xf32, #tpu.memory_space<vmem>> -> memref<1x64x256xf32, #tpu.memory_space<vmem>>
        %dma_start3A_214 = tpu.memref_squeeze %dma_start3A_213 : memref<1x64x256xf32, #tpu.memory_space<vmem>> -> memref<64x256xf32, #tpu.memory_space<vmem>>
        tpu.enqueue_dma source(%dma_start3A_214 : memref<64x256xf32, #tpu.memory_space<vmem>>) target(%dma_start3A_210 : memref<64x256xf32, #tpu.memory_space<hbm>>) target_semaphore(%dma_start3A_208 : memref<!tpu.dma_semaphore, #tpu.memory_space<semaphore_mem>>)
      } else {
      }
      %mul3A_148 = arith.constant 6 : i32
      %mul3A_149 = arith.muli %scan3A_7, %mul3A_148 : i32
      %add3A_150 = arith.constant 5 : i32
      %add3A_151 = arith.addi %mul3A_149, %add3A_150 : i32
      %ge3A_152 = arith.constant 6 : i32
      %ge3A_153 = arith.cmpi sge, %add3A_151, %ge3A_152 : i32
      %sub3A_154 = arith.constant 6 : i32
      %sub3A_155 = arith.subi %add3A_151, %sub3A_154 : i32
      %lt3A_156 = arith.constant 122 : i32
      %lt3A_157 = arith.cmpi slt, %sub3A_155, %lt3A_156 : i32
      %and3A_158 = arith.andi %ge3A_153, %lt3A_157 : i1
      %convert_element_type3A_159 = arith.extui %and3A_158 : i1 to i32
      %cond3A_160 = arith.constant 0 : i32
      %cond3A_161 = arith.cmpi ne, %convert_element_type3A_159, %cond3A_160 : i32
      scf.if %cond3A_161 {
        %sub3A_178 = arith.constant 6 : i32
        %sub3A_179 = arith.subi %add3A_151, %sub3A_178 : i32
        %mul3A_180 = arith.constant 122 : i32
        %mul3A_181 = arith.muli %add3A, %mul3A_180 : i32
        %add3A_182 = arith.addi %mul3A_181, %sub3A_179 : i32
        %mul3A_183 = arith.constant 256 : i32
        %mul3A_184 = arith.muli %add3A_182, %mul3A_183 : i32
        %multiple_of3A = tpu.assume_multiple %mul3A_184, 128 : i32
        %dma_wait3A = arith.constant 5 : i32
        %dma_wait3A_185 = arith.constant 5 : i32
        %dma_wait3A_186 = arith.constant 0 : i32
        %dma_wait3A_187 = arith.constant 0 : i32
        %dma_wait3A_188 = tpu.memref_slice %arg4[%dma_wait3A, %dma_wait3A_186, %dma_wait3A_187] : memref<6x64x256xf32, #tpu.memory_space<vmem>> -> memref<1x64x256xf32, #tpu.memory_space<vmem>>
        %dma_wait3A_189 = tpu.memref_squeeze %dma_wait3A_188 : memref<1x64x256xf32, #tpu.memory_space<vmem>> -> memref<64x256xf32, #tpu.memory_space<vmem>>
        %dma_wait3A_190 = arith.constant 0 : i32
        %dma_wait3A_191 = tpu.memref_slice %arg3[%dma_wait3A_190, %multiple_of3A] : memref<64x1000000xf32, #tpu.memory_space<hbm>> -> memref<64x256xf32, #tpu.memory_space<hbm>>
        %dma_wait3A_192 = tpu.memref_slice %arg6[%dma_wait3A_185] : memref<6x!tpu.dma_semaphore, #tpu.memory_space<semaphore_mem>> -> memref<1x!tpu.dma_semaphore, #tpu.memory_space<semaphore_mem>>
        %dma_wait3A_193 = tpu.memref_squeeze %dma_wait3A_192 : memref<1x!tpu.dma_semaphore, #tpu.memory_space<semaphore_mem>> -> memref<!tpu.dma_semaphore, #tpu.memory_space<semaphore_mem>>
        %dma_wait3A_194 = arith.constant 0 : i32
        %dma_wait3A_195 = tpu.memref_slice %arg3[%dma_wait3A_194, %multiple_of3A] : memref<64x1000000xf32, #tpu.memory_space<hbm>> -> memref<64x256xf32, #tpu.memory_space<hbm>>
        %dma_wait3A_196 = arith.constant 0 : i32
        %dma_wait3A_197 = arith.constant 0 : i32
        %dma_wait3A_198 = tpu.memref_slice %arg4[%dma_wait3A, %dma_wait3A_196, %dma_wait3A_197] : memref<6x64x256xf32, #tpu.memory_space<vmem>> -> memref<1x64x256xf32, #tpu.memory_space<vmem>>
        %dma_wait3A_199 = tpu.memref_squeeze %dma_wait3A_198 : memref<1x64x256xf32, #tpu.memory_space<vmem>> -> memref<64x256xf32, #tpu.memory_space<vmem>>
        tpu.wait_dma2 semaphore(%dma_wait3A_193 : memref<!tpu.dma_semaphore, #tpu.memory_space<semaphore_mem>>) src(%dma_wait3A_199 : memref<64x256xf32, #tpu.memory_space<vmem>>) dst(%dma_wait3A_195 : memref<64x256xf32, #tpu.memory_space<hbm>>)
      } else {
      }
      %lt3A_162 = arith.constant 122 : i32
      %lt3A_163 = arith.cmpi slt, %add3A_151, %lt3A_162 : i32
      %convert_element_type3A_164 = arith.extui %lt3A_163 : i1 to i32
      %cond3A_165 = arith.constant 0 : i32
      %cond3A_166 = arith.cmpi ne, %convert_element_type3A_164, %cond3A_165 : i32
      scf.if %cond3A_166 {
        %mul3A_178 = arith.constant 122 : i32
        %mul3A_179 = arith.muli %add3A, %mul3A_178 : i32
        %add3A_180 = arith.addi %mul3A_179, %add3A_151 : i32
        %mul3A_181 = arith.constant 256 : i32
        %mul3A_182 = arith.muli %add3A_180, %mul3A_181 : i32
        %multiple_of3A = tpu.assume_multiple %mul3A_182, 128 : i32
        %dma_start3A = arith.constant 5 : i32
        %dma_start3A_183 = arith.constant 5 : i32
        %dma_start3A_184 = arith.constant 0 : i32
        %dma_start3A_185 = arith.constant 0 : i32
        %dma_start3A_186 = tpu.memref_slice %arg4[%dma_start3A, %dma_start3A_184, %dma_start3A_185] : memref<6x64x256xf32, #tpu.memory_space<vmem>> -> memref<1x64x256xf32, #tpu.memory_space<vmem>>
        %dma_start3A_187 = tpu.memref_squeeze %dma_start3A_186 : memref<1x64x256xf32, #tpu.memory_space<vmem>> -> memref<64x256xf32, #tpu.memory_space<vmem>>
        %dma_start3A_188 = arith.constant 0 : i32
        %dma_start3A_189 = tpu.memref_slice %arg2[%dma_start3A_188, %multiple_of3A] : memref<64x1000000xf32, #tpu.memory_space<hbm>> -> memref<64x256xf32, #tpu.memory_space<hbm>>
        %dma_start3A_190 = tpu.memref_slice %arg5[%dma_start3A_183] : memref<6x!tpu.dma_semaphore, #tpu.memory_space<semaphore_mem>> -> memref<1x!tpu.dma_semaphore, #tpu.memory_space<semaphore_mem>>
        %dma_start3A_191 = tpu.memref_squeeze %dma_start3A_190 : memref<1x!tpu.dma_semaphore, #tpu.memory_space<semaphore_mem>> -> memref<!tpu.dma_semaphore, #tpu.memory_space<semaphore_mem>>
        %dma_start3A_192 = arith.constant 0 : i32
        %dma_start3A_193 = arith.constant 0 : i32
        %dma_start3A_194 = tpu.memref_slice %arg4[%dma_start3A, %dma_start3A_192, %dma_start3A_193] : memref<6x64x256xf32, #tpu.memory_space<vmem>> -> memref<1x64x256xf32, #tpu.memory_space<vmem>>
        %dma_start3A_195 = tpu.memref_squeeze %dma_start3A_194 : memref<1x64x256xf32, #tpu.memory_space<vmem>> -> memref<64x256xf32, #tpu.memory_space<vmem>>
        %dma_start3A_196 = arith.constant 0 : i32
        %dma_start3A_197 = tpu.memref_slice %arg2[%dma_start3A_196, %multiple_of3A] : memref<64x1000000xf32, #tpu.memory_space<hbm>> -> memref<64x256xf32, #tpu.memory_space<hbm>>
        tpu.enqueue_dma source(%dma_start3A_197 : memref<64x256xf32, #tpu.memory_space<hbm>>) target(%dma_start3A_195 : memref<64x256xf32, #tpu.memory_space<vmem>>) target_semaphore(%dma_start3A_191 : memref<!tpu.dma_semaphore, #tpu.memory_space<semaphore_mem>>)
      } else {
      }
      %ge3A_167 = arith.constant 1 : i32
      %ge3A_168 = arith.cmpi sge, %add3A_151, %ge3A_167 : i32
      %sub3A_169 = arith.constant 1 : i32
      %sub3A_170 = arith.subi %add3A_151, %sub3A_169 : i32
      %lt3A_171 = arith.constant 122 : i32
      %lt3A_172 = arith.cmpi slt, %sub3A_170, %lt3A_171 : i32
      %and3A_173 = arith.andi %ge3A_168, %lt3A_172 : i1
      %convert_element_type3A_174 = arith.extui %and3A_173 : i1 to i32
      %cond3A_175 = arith.constant 0 : i32
      %cond3A_176 = arith.cmpi ne, %convert_element_type3A_174, %cond3A_175 : i32
      scf.if %cond3A_176 {
        %sub3A_178 = arith.constant 1 : i32
        %sub3A_179 = arith.subi %add3A_151, %sub3A_178 : i32
        %mul3A_180 = arith.constant 122 : i32
        %mul3A_181 = arith.muli %add3A, %mul3A_180 : i32
        %add3A_182 = arith.addi %mul3A_181, %sub3A_179 : i32
        %mul3A_183 = arith.constant 256 : i32
        %mul3A_184 = arith.muli %add3A_182, %mul3A_183 : i32
        %multiple_of3A = tpu.assume_multiple %mul3A_184, 128 : i32
        %dma_wait3A = arith.constant 4 : i32
        %dma_wait3A_185 = arith.constant 4 : i32
        %dma_wait3A_186 = arith.constant 0 : i32
        %dma_wait3A_187 = arith.constant 0 : i32
        %dma_wait3A_188 = tpu.memref_slice %arg4[%dma_wait3A, %dma_wait3A_186, %dma_wait3A_187] : memref<6x64x256xf32, #tpu.memory_space<vmem>> -> memref<1x64x256xf32, #tpu.memory_space<vmem>>
        %dma_wait3A_189 = tpu.memref_squeeze %dma_wait3A_188 : memref<1x64x256xf32, #tpu.memory_space<vmem>> -> memref<64x256xf32, #tpu.memory_space<vmem>>
        %dma_wait3A_190 = arith.constant 0 : i32
        %dma_wait3A_191 = tpu.memref_slice %arg2[%dma_wait3A_190, %multiple_of3A] : memref<64x1000000xf32, #tpu.memory_space<hbm>> -> memref<64x256xf32, #tpu.memory_space<hbm>>
        %dma_wait3A_192 = tpu.memref_slice %arg5[%dma_wait3A_185] : memref<6x!tpu.dma_semaphore, #tpu.memory_space<semaphore_mem>> -> memref<1x!tpu.dma_semaphore, #tpu.memory_space<semaphore_mem>>
        %dma_wait3A_193 = tpu.memref_squeeze %dma_wait3A_192 : memref<1x!tpu.dma_semaphore, #tpu.memory_space<semaphore_mem>> -> memref<!tpu.dma_semaphore, #tpu.memory_space<semaphore_mem>>
        %dma_wait3A_194 = arith.constant 0 : i32
        %dma_wait3A_195 = arith.constant 0 : i32
        %dma_wait3A_196 = tpu.memref_slice %arg4[%dma_wait3A, %dma_wait3A_194, %dma_wait3A_195] : memref<6x64x256xf32, #tpu.memory_space<vmem>> -> memref<1x64x256xf32, #tpu.memory_space<vmem>>
        %dma_wait3A_197 = tpu.memref_squeeze %dma_wait3A_196 : memref<1x64x256xf32, #tpu.memory_space<vmem>> -> memref<64x256xf32, #tpu.memory_space<vmem>>
        %dma_wait3A_198 = arith.constant 0 : i32
        %dma_wait3A_199 = tpu.memref_slice %arg2[%dma_wait3A_198, %multiple_of3A] : memref<64x1000000xf32, #tpu.memory_space<hbm>> -> memref<64x256xf32, #tpu.memory_space<hbm>>
        tpu.wait_dma2 semaphore(%dma_wait3A_193 : memref<!tpu.dma_semaphore, #tpu.memory_space<semaphore_mem>>) src(%dma_wait3A_199 : memref<64x256xf32, #tpu.memory_space<hbm>>) dst(%dma_wait3A_197 : memref<64x256xf32, #tpu.memory_space<vmem>>)
        %dma_start3A = arith.constant 4 : i32
        %dma_start3A_200 = arith.constant 4 : i32
        %dma_start3A_201 = arith.constant 0 : i32
        %dma_start3A_202 = arith.constant 0 : i32
        %dma_start3A_203 = tpu.memref_slice %arg4[%dma_start3A, %dma_start3A_201, %dma_start3A_202] : memref<6x64x256xf32, #tpu.memory_space<vmem>> -> memref<1x64x256xf32, #tpu.memory_space<vmem>>
        %dma_start3A_204 = tpu.memref_squeeze %dma_start3A_203 : memref<1x64x256xf32, #tpu.memory_space<vmem>> -> memref<64x256xf32, #tpu.memory_space<vmem>>
        %dma_start3A_205 = arith.constant 0 : i32
        %dma_start3A_206 = tpu.memref_slice %arg3[%dma_start3A_205, %multiple_of3A] : memref<64x1000000xf32, #tpu.memory_space<hbm>> -> memref<64x256xf32, #tpu.memory_space<hbm>>
        %dma_start3A_207 = tpu.memref_slice %arg6[%dma_start3A_200] : memref<6x!tpu.dma_semaphore, #tpu.memory_space<semaphore_mem>> -> memref<1x!tpu.dma_semaphore, #tpu.memory_space<semaphore_mem>>
        %dma_start3A_208 = tpu.memref_squeeze %dma_start3A_207 : memref<1x!tpu.dma_semaphore, #tpu.memory_space<semaphore_mem>> -> memref<!tpu.dma_semaphore, #tpu.memory_space<semaphore_mem>>
        %dma_start3A_209 = arith.constant 0 : i32
        %dma_start3A_210 = tpu.memref_slice %arg3[%dma_start3A_209, %multiple_of3A] : memref<64x1000000xf32, #tpu.memory_space<hbm>> -> memref<64x256xf32, #tpu.memory_space<hbm>>
        %dma_start3A_211 = arith.constant 0 : i32
        %dma_start3A_212 = arith.constant 0 : i32
        %dma_start3A_213 = tpu.memref_slice %arg4[%dma_start3A, %dma_start3A_211, %dma_start3A_212] : memref<6x64x256xf32, #tpu.memory_space<vmem>> -> memref<1x64x256xf32, #tpu.memory_space<vmem>>
        %dma_start3A_214 = tpu.memref_squeeze %dma_start3A_213 : memref<1x64x256xf32, #tpu.memory_space<vmem>> -> memref<64x256xf32, #tpu.memory_space<vmem>>
        tpu.enqueue_dma source(%dma_start3A_214 : memref<64x256xf32, #tpu.memory_space<vmem>>) target(%dma_start3A_210 : memref<64x256xf32, #tpu.memory_space<hbm>>) target_semaphore(%dma_start3A_208 : memref<!tpu.dma_semaphore, #tpu.memory_space<semaphore_mem>>)
      } else {
      }
      %scan3A_177 = arith.constant 0 : i32
      scf.yield %scan3A_177 : i32
    }
    %scan3A_6 = arith.constant 22 : i32
    return
  }
}

module attributes {stable_mosaic.version = 14 : i64} {
  func.func @_tc_merge_body(%arg0: i32, %arg1: memref<1xi32, #tpu.memory_space<smem>>, %arg2: memref<64x1024xf32, #tpu.memory_space<vmem>>, %arg3: memref<64x18688xf32, #tpu.memory_space<vmem>>, %arg4: memref<64x18688xf32, #tpu.memory_space<vmem>>, %arg5: memref<64x1000000xf32, #tpu.memory_space<hbm>>, %arg6: memref<64x1024xf32, #tpu.memory_space<vmem>>) attributes {dimension_semantics = [#tpu.dimension_semantics<arbitrary>], iteration_bounds = array<i64: 19>, scalar_prefetch = 1 : i64, scratch_operands = 0 : i64, tpu.core_type = #tpu.core_type<tc>, window_params = [{transform_indices = @transform_0, window_bounds = array<i64: 64, 1024>}, {pipeline_mode = #tpu.pipeline_mode<synchronous>, transform_indices = @transform_1, window_bounds = array<i64: 64, 18688>}, {pipeline_mode = #tpu.pipeline_mode<synchronous>, transform_indices = @transform_2, window_bounds = array<i64: 64, 18688>}, {}, {transform_indices = @transform_4, window_bounds = array<i64: 64, 1024>}]} {
    %get3A = arith.constant 0 : index
    %get3A_0 = memref.load %arg1[%get3A] : memref<1xi32, #tpu.memory_space<smem>>
    %get3A_1 = arith.constant 0 : index
    %get3A_2 = memref.load %arg1[%get3A_1] : memref<1xi32, #tpu.memory_space<smem>>
    %jit3A = arith.constant 1024 : i32
    %div3A = arith.divsi %get3A_2, %jit3A : i32
    %sign3A = arith.constant 0 : i32
    %sign3A_3 = arith.cmpi sgt, %get3A_2, %sign3A : i32
    %sign3A_4 = arith.extui %sign3A_3 : i1 to i32
    %sign3A_5 = arith.constant 0 : i32
    %sign3A_6 = arith.cmpi slt, %get3A_2, %sign3A_5 : i32
    %sign3A_7 = arith.extui %sign3A_6 : i1 to i32
    %sign3A_8 = arith.subi %sign3A_4, %sign3A_7 : i32
    %sign3A_9 = arith.constant 0 : i32
    %sign3A_10 = arith.cmpi sgt, %jit3A, %sign3A_9 : i32
    %sign3A_11 = arith.extui %sign3A_10 : i1 to i32
    %sign3A_12 = arith.constant 0 : i32
    %sign3A_13 = arith.cmpi slt, %jit3A, %sign3A_12 : i32
    %sign3A_14 = arith.extui %sign3A_13 : i1 to i32
    %sign3A_15 = arith.subi %sign3A_11, %sign3A_14 : i32
    %ne3A = arith.cmpi ne, %sign3A_8, %sign3A_15 : i32
    %rem3A = arith.remsi %get3A_2, %jit3A : i32
    %ne3A_16 = arith.constant 0 : i32
    %ne3A_17 = arith.cmpi ne, %rem3A, %ne3A_16 : i32
    %and3A = arith.andi %ne3A, %ne3A_17 : i1
    %sub3A = arith.constant 1 : i32
    %sub3A_18 = arith.subi %div3A, %sub3A : i32
    %select_n3A = arith.select %and3A, %sub3A_18, %div3A : i32
    %add3A = arith.addi %select_n3A, %arg0 : i32
    %ge3A = arith.constant 977 : i32
    %ge3A_19 = arith.cmpi sge, %add3A, %ge3A : i32
    %sub3A_20 = arith.constant 977 : i32
    %sub3A_21 = arith.subi %add3A, %sub3A_20 : i32
    %select_n3A_22 = arith.select %ge3A_19, %sub3A_21, %add3A : i32
    %eq3A = arith.constant 18 : i32
    %eq3A_23 = arith.cmpi eq, %arg0, %eq3A : i32
    %jit3A_24 = arith.constant 976 : i32
    %select_n3A_25 = arith.select %eq3A_23, %jit3A_24, %select_n3A_22 : i32
    %mul3A = arith.constant 1024 : i32
    %mul3A_26 = arith.muli %select_n3A_25, %mul3A : i32
    %iota3A = tpu.iota {dimensions = array<i32: 1>} : vector<1x1024xi32>
    %add3A_27 = vector.broadcast %mul3A_26 : i32 to vector<1x1024xi32>
    %add3A_28 = arith.addi %add3A_27, %iota3A : vector<1x1024xi32>
    %sub3A_29 = vector.broadcast %get3A_0 : i32 to vector<1x1024xi32>
    %sub3A_30 = arith.subi %add3A_28, %sub3A_29 : vector<1x1024xi32>
    %lt3A = arith.constant 0 : i32
    %lt3A_31 = vector.broadcast %lt3A : i32 to vector<1x1024xi32>
    %lt3A_32 = arith.cmpi slt, %sub3A_30, %lt3A_31 : vector<1x1024xi32>
    %add3A_33 = arith.constant 1000000 : i32
    %add3A_34 = vector.broadcast %add3A_33 : i32 to vector<1x1024xi32>
    %add3A_35 = arith.addi %sub3A_30, %add3A_34 : vector<1x1024xi32>
    %select_n3A_36 = arith.select %lt3A_32, %add3A_35, %sub3A_30 : vector<1x1024xi1>, vector<1x1024xi32>
    %lt3A_37 = arith.constant 16384 : i32
    %lt3A_38 = vector.broadcast %lt3A_37 : i32 to vector<1x1024xi32>
    %lt3A_39 = arith.cmpi slt, %select_n3A_36, %lt3A_38 : vector<1x1024xi32>
    %jit3A_40 = arith.constant 256 : i32
    %eq3A_41 = arith.constant 0 : i32
    %eq3A_42 = arith.cmpi eq, %jit3A_40, %eq3A_41 : i32
    %jit3A_43 = arith.constant 1 : i32
    %select_n3A_44 = arith.select %eq3A_42, %jit3A_43, %jit3A_40 : i32
    %rem3A_45 = arith.remsi %get3A_0, %select_n3A_44 : i32
    %ne3A_46 = arith.constant 0 : i32
    %ne3A_47 = arith.cmpi ne, %rem3A_45, %ne3A_46 : i32
    %lt3A_48 = arith.constant 0 : i32
    %lt3A_49 = arith.cmpi slt, %rem3A_45, %lt3A_48 : i32
    %lt3A_50 = arith.constant 0 : i32
    %lt3A_51 = arith.cmpi slt, %select_n3A_44, %lt3A_50 : i32
    %ne3A_52 = arith.xori %lt3A_49, %lt3A_51 : i1
    %and3A_53 = arith.andi %ne3A_52, %ne3A_47 : i1
    %add3A_54 = arith.addi %rem3A_45, %select_n3A_44 : i32
    %select_n3A_55 = arith.select %and3A_53, %add3A_54, %rem3A_45 : i32
    %ge3A_56 = arith.constant 64 : i32
    %ge3A_57 = arith.cmpi sge, %select_n3A_55, %ge3A_56 : i32
    %sub3A_58 = arith.constant 64 : i32
    %sub3A_59 = arith.subi %select_n3A_55, %sub3A_58 : i32
    %add3A_60 = arith.constant 256 : i32
    %add3A_61 = arith.addi %select_n3A_55, %add3A_60 : i32
    %sub3A_62 = arith.constant 64 : i32
    %sub3A_63 = arith.subi %add3A_61, %sub3A_62 : i32
    %select_n3A_64 = arith.select %ge3A_57, %sub3A_59, %sub3A_63 : i32
    %add3A_65 = arith.constant 16384 : i32
    %add3A_66 = arith.addi %get3A_0, %add3A_65 : i32
    %sub3A_67 = arith.constant 1000000 : i32
    %sub3A_68 = arith.subi %add3A_66, %sub3A_67 : i32
    %lt3A_69 = arith.cmpi slt, %mul3A_26, %sub3A_68 : i32
    %add3A_70 = arith.addi %mul3A_26, %select_n3A_55 : i32
    %add3A_71 = arith.constant 1024 : i32
    %add3A_72 = arith.addi %add3A_70, %add3A_71 : i32
    %sub3A_73 = arith.subi %add3A_72, %get3A_0 : i32
    %jit3A_74 = arith.constant 0 : i32
    %jit3A_75 = arith.constant 17664 : i32
    %max3A = arith.maxsi %jit3A_74, %sub3A_73 : i32
    %min3A = arith.minsi %jit3A_75, %max3A : i32
    %multiple_of3A = tpu.assume_multiple %min3A, 128 : i32
    %add3A_76 = arith.constant 1000000 : i32
    %add3A_77 = arith.addi %mul3A_26, %add3A_76 : i32
    %sub3A_78 = arith.subi %add3A_77, %get3A_0 : i32
    %add3A_79 = arith.addi %sub3A_78, %select_n3A_64 : i32
    %jit3A_80 = arith.constant 0 : i32
    %jit3A_81 = arith.constant 17664 : i32
    %max3A_82 = arith.maxsi %jit3A_80, %add3A_79 : i32
    %min3A_83 = arith.minsi %jit3A_81, %max3A_82 : i32
    %multiple_of3A_84 = tpu.assume_multiple %min3A_83, 128 : i32
    %get3A_85 = arith.constant 0 : index
    %get3A_86 = arith.index_cast %multiple_of3A_84 : i32 to index
    %get3A_87 = vector.load %arg4[%get3A_85, %get3A_86] : memref<64x18688xf32, #tpu.memory_space<vmem>>, vector<64x1024xf32>
    %get3A_88 = arith.constant 0 : index
    %get3A_89 = arith.index_cast %multiple_of3A : i32 to index
    %get3A_90 = vector.load %arg3[%get3A_88, %get3A_89] : memref<64x18688xf32, #tpu.memory_space<vmem>>, vector<64x1024xf32>
    %select_n3A_91 = arith.select %lt3A_69, %get3A_87, %get3A_90 : vector<64x1024xf32>
    %get3A_92 = arith.constant 0 : index
    %get3A_93 = arith.constant 0 : index
    %get3A_94 = vector.load %arg2[%get3A_92, %get3A_93] : memref<64x1024xf32, #tpu.memory_space<vmem>>, vector<64x1024xf32>
    %broadcast_in_dim3A = vector.shape_cast %lt3A_39 : vector<1x1024xi1> to vector<1x1024xi1>
    %broadcast_in_dim3A_95 = vector.broadcast %broadcast_in_dim3A : vector<1x1024xi1> to vector<64x1024xi1>
    %select_n3A_96 = arith.select %broadcast_in_dim3A_95, %select_n3A_91, %get3A_94 : vector<64x1024xi1>, vector<64x1024xf32>
    %swap3A = arith.constant 0 : index
    %swap3A_97 = arith.constant 0 : index
    %swap3A_98 = vector.load %arg6[%swap3A, %swap3A_97] : memref<64x1024xf32, #tpu.memory_space<vmem>>, vector<64x1024xf32>
    tpu.vector_store %arg6[%swap3A, %swap3A_97], %select_n3A_96 {strides = array<i32>} : memref<64x1024xf32, #tpu.memory_space<vmem>>, vector<64x1024xf32>,
    return
  }
  func.func @transform_0(%arg0: i32, %arg1: memref<1xi32, #tpu.memory_space<smem>>) -> (i32, i32) {
    %get3A = arith.constant 0 : index
    %get3A_0 = memref.load %arg1[%get3A] : memref<1xi32, #tpu.memory_space<smem>>
    %jit3A = arith.constant 1024 : i32
    %div3A = arith.divsi %get3A_0, %jit3A : i32
    %sign3A = arith.constant 0 : i32
    %sign3A_1 = arith.cmpi sgt, %get3A_0, %sign3A : i32
    %sign3A_2 = arith.extui %sign3A_1 : i1 to i32
    %sign3A_3 = arith.constant 0 : i32
    %sign3A_4 = arith.cmpi slt, %get3A_0, %sign3A_3 : i32
    %sign3A_5 = arith.extui %sign3A_4 : i1 to i32
    %sign3A_6 = arith.subi %sign3A_2, %sign3A_5 : i32
    %sign3A_7 = arith.constant 0 : i32
    %sign3A_8 = arith.cmpi sgt, %jit3A, %sign3A_7 : i32
    %sign3A_9 = arith.extui %sign3A_8 : i1 to i32
    %sign3A_10 = arith.constant 0 : i32
    %sign3A_11 = arith.cmpi slt, %jit3A, %sign3A_10 : i32
    %sign3A_12 = arith.extui %sign3A_11 : i1 to i32
    %sign3A_13 = arith.subi %sign3A_9, %sign3A_12 : i32
    %ne3A = arith.cmpi ne, %sign3A_6, %sign3A_13 : i32
    %rem3A = arith.remsi %get3A_0, %jit3A : i32
    %ne3A_14 = arith.constant 0 : i32
    %ne3A_15 = arith.cmpi ne, %rem3A, %ne3A_14 : i32
    %and3A = arith.andi %ne3A, %ne3A_15 : i1
    %sub3A = arith.constant 1 : i32
    %sub3A_16 = arith.subi %div3A, %sub3A : i32
    %select_n3A = arith.select %and3A, %sub3A_16, %div3A : i32
    %add3A = arith.addi %select_n3A, %arg0 : i32
    %ge3A = arith.constant 977 : i32
    %ge3A_17 = arith.cmpi sge, %add3A, %ge3A : i32
    %sub3A_18 = arith.constant 977 : i32
    %sub3A_19 = arith.subi %add3A, %sub3A_18 : i32
    %select_n3A_20 = arith.select %ge3A_17, %sub3A_19, %add3A : i32
    %eq3A = arith.constant 18 : i32
    %eq3A_21 = arith.cmpi eq, %arg0, %eq3A : i32
    %jit3A_22 = arith.constant 976 : i32
    %select_n3A_23 = arith.select %eq3A_21, %jit3A_22, %select_n3A_20 : i32
    %c0_i32 = arith.constant 0 : i32
    %c0_i32_24 = arith.constant 0 : i32
    return %c0_i32, %select_n3A_23 : i32, i32
  }
  func.func @transform_1(%arg0: i32, %arg1: memref<1xi32, #tpu.memory_space<smem>>) -> (i32, i32) {
    %c0_i32 = arith.constant 0 : i32
    %c0_i32_0 = arith.constant 0 : i32
    %c0_i32_1 = arith.constant 0 : i32
    return %c0_i32, %c0_i32_0 : i32, i32
  }
  func.func @transform_2(%arg0: i32, %arg1: memref<1xi32, #tpu.memory_space<smem>>) -> (i32, i32) {
    %c0_i32 = arith.constant 0 : i32
    %c0_i32_0 = arith.constant 0 : i32
    %c0_i32_1 = arith.constant 0 : i32
    return %c0_i32, %c0_i32_0 : i32, i32
  }
  func.func @transform_4(%arg0: i32, %arg1: memref<1xi32, #tpu.memory_space<smem>>) -> (i32, i32) {
    %get3A = arith.constant 0 : index
    %get3A_0 = memref.load %arg1[%get3A] : memref<1xi32, #tpu.memory_space<smem>>
    %jit3A = arith.constant 1024 : i32
    %div3A = arith.divsi %get3A_0, %jit3A : i32
    %sign3A = arith.constant 0 : i32
    %sign3A_1 = arith.cmpi sgt, %get3A_0, %sign3A : i32
    %sign3A_2 = arith.extui %sign3A_1 : i1 to i32
    %sign3A_3 = arith.constant 0 : i32
    %sign3A_4 = arith.cmpi slt, %get3A_0, %sign3A_3 : i32
    %sign3A_5 = arith.extui %sign3A_4 : i1 to i32
    %sign3A_6 = arith.subi %sign3A_2, %sign3A_5 : i32
    %sign3A_7 = arith.constant 0 : i32
    %sign3A_8 = arith.cmpi sgt, %jit3A, %sign3A_7 : i32
    %sign3A_9 = arith.extui %sign3A_8 : i1 to i32
    %sign3A_10 = arith.constant 0 : i32
    %sign3A_11 = arith.cmpi slt, %jit3A, %sign3A_10 : i32
    %sign3A_12 = arith.extui %sign3A_11 : i1 to i32
    %sign3A_13 = arith.subi %sign3A_9, %sign3A_12 : i32
    %ne3A = arith.cmpi ne, %sign3A_6, %sign3A_13 : i32
    %rem3A = arith.remsi %get3A_0, %jit3A : i32
    %ne3A_14 = arith.constant 0 : i32
    %ne3A_15 = arith.cmpi ne, %rem3A, %ne3A_14 : i32
    %and3A = arith.andi %ne3A, %ne3A_15 : i1
    %sub3A = arith.constant 1 : i32
    %sub3A_16 = arith.subi %div3A, %sub3A : i32
    %select_n3A = arith.select %and3A, %sub3A_16, %div3A : i32
    %add3A = arith.addi %select_n3A, %arg0 : i32
    %ge3A = arith.constant 977 : i32
    %ge3A_17 = arith.cmpi sge, %add3A, %ge3A : i32
    %sub3A_18 = arith.constant 977 : i32
    %sub3A_19 = arith.subi %add3A, %sub3A_18 : i32
    %select_n3A_20 = arith.select %ge3A_17, %sub3A_19, %add3A : i32
    %eq3A = arith.constant 18 : i32
    %eq3A_21 = arith.cmpi eq, %arg0, %eq3A : i32
    %jit3A_22 = arith.constant 976 : i32
    %select_n3A_23 = arith.select %eq3A_21, %jit3A_22, %select_n3A_20 : i32
    %c0_i32 = arith.constant 0 : i32
    %c0_i32_24 = arith.constant 0 : i32
    return %c0_i32, %select_n3A_23 : i32, i32
  }
}

</mosaic_0001>

<sc_bundles>
// kernel: kernel.4.cloned.1.call-start
scs
__scs_entry_jumppad:
0x0: {  	(pc) =	sbr.rel $0x88, $3  }
0x1: {  	(tag) =	ssettag $0x0;
	lr =	simm.s32 $0x1  }
0x2: {  	[smem:$0x3F9E] =	sst lr;
	_ =	strace $0xD0000000  }
0x3: {  	_ = 	snop  }
0x4: {  	_ = 	snop  }
0x5: {  	_ = 	snop  }
0x6: {  	_ = 	snop  }
0x7: {  	_ = 	snop  }
__scs_overlays_trampoline_lowered:
0x8: {  	[smem:$0x3FAD] =	sst s0  }
0x9: {  	[smem:$0x3FAE] =	sst s1  }
0xa: {  	[smem:$0x3FAF] =	sst s2  }
0xb: {  	[smem:$0x3FB0] =	sst s3  }
0xc: {  	[smem:$0x3FB1] =	sst s4  }
0xd: {  	[smem:$0x3FB2] =	sst s5  }
0xe: {  	[smem:$0x3FB3] =	sst s6  }
0xf: {  	[smem:$0x3FB4] =	sst s7  }
0x10: {  	[smem:$0x3FB5] =	sst s8  }
0x11: {  	[smem:$0x3FB6] =	sst s9;
	s0 =	simm.s32 @!p0 $0x0  }
0x12: {  	s1 =	sld [smem:$0x3F9C];
	s0 =	simm.s32 @p0 $0x1  }
0x13: {  	[smem:$0x3FB7] =	sst s0;
	s0 =	simm.s32 @!p1 $0x0  }
0x14: {  	s2 =	sld [smem:$0x3F9B];
	s0 =	simm.s32 @p1 $0x1  }
0x15: {  	[smem:$0x3FB8] =	sst s0;
	s0 =	simm.s32 @!p2 $0x0  }
0x16: {  	s3 =	sld [smem:$0x3FDB];
	s0 =	simm.s32 @p2 $0x1  }
0x17: {  	s4 =	simm.s32 $0x1BF5;
	[smem:$0x3FBA] =	sst s0  }
0x18: {  	s0 =	sld [smem:$0x3F9D];
	_ =	swait.ge [sflag:s4], $0x0  }
0x19: {  	s7 =	sld [smem:$0x3F9E]  }
0x1a: {  	s8 =	sadd.s32 $0xFFFFE003, lr  }
0x1b: {  	s9 =	sadd.s32 $0xFFFFFEF7, lr;
	s5 =	simm.s32 $0xFFFFFFFF;
	p2 =	slt.u32 s8, $0xFFFFF086  }
0x1c: {  	p1 =	slt.u32 s9, $0xF7A;
	s5 =	simm.s32 @!p2 $0x0  }
0x1d: {  	s5 =	simm.s32 @p1 $0x1;
	p0 =	seq.s32 s7, s2  }
0x1e: {  	s7 =	smul.u32 @!p0 $0xF7A, s2;
	p2 =	seq.s32 @!p0 s5, $0x0  }
0x1f: {  	s9 =	smul.u32 $0xF7A, s1;
	s8 =	simm.s32 @!p0 $0x1BF5;
	p2 =	por !p2, p0  }
0x20: {  	[sflag:s8] =	ssyncset.s32 @!p0 $0xFFFFF086;
	s6 =	sadd.s32 @!p0 s3, s7;
	s7 =	simm.s32 @!p0 $0x108  }
0x21: {  	s3 =	sadd.s32 s3, s9;
	s6 =	sadd.s32 @!p0 $0x88, s6;
	s7 =	simm.s32 @p2 $0x1082  }
0x22: {  	[simem:s7], [sflag:s8] =	dma.local @!p0 [hbm:s6], $0xF7A  }
0x23: {  	s9 =	sor.u32 $0xD0000000, s2;
	s6 =	simm.s32 $0x108;
	_ =	swait.ge @!p0 [sflag:s8], $0x0  }
0x24: {  	s3 =	sadd.s32 $0x88, s3;
	s6 =	simm.s32 @!p1 $0x1082;
	[sflag:s4] =	ssyncset.s32 $0xFFFFF086  }
0x25: {  	[simem:s6], [sflag:s4] =	dma.local [hbm:s3], $0xF7A  }
0x26: {  	[smem:$0x3F9E] =	sst s1;
	(tag) =	ssettag s2;
	_ =	strace s9  }
0x27: {  	s1 =	sld [smem:$0x3FAE]  }
0x28: {  	s2 =	sld [smem:$0x3FAF]  }
0x29: {  	s4 =	sld [smem:$0x3FB1]  }
0x2a: {  	p0 =	seq.s32 s5, $0x0;
	s5 =	sld [smem:$0x3FB2]  }
0x2b: {  	s6 =	sld [smem:$0x3FB3]  }
0x2c: {  	s7 =	sld [smem:$0x3FB4]  }
0x2d: {  	s3 =	simm.s32 $0x108;
	s8 =	sld [smem:$0x3FB5]  }
0x2e: {  	s3 =	simm.s32 @!p0 $0x1082;
	s9 =	sld [smem:$0x3FB6]  }
0x2f: {  	lr =	sadd.s32 s0, s3;
	s0 =	sld [smem:$0x3FAD]  }
0x30: {  	s3 =	sld [smem:$0x3FB0]  }
0x31: {  	[smem:$0x3FB9] =	sst s10  }
0x32: {  	s10 =	sld [smem:$0x3FB7];
	_ =	sdelay $0x3  }
0x33: {  	p0 =	seq.s32 s10, $0x1;
	s10 =	sld [smem:$0x3FB9];
	_ =	sdelay $0x3  }
0x34: {  	[smem:$0x3FB9] =	sst s10  }
0x35: {  	s10 =	sld [smem:$0x3FB8];
	_ =	sdelay $0x3  }
0x36: {  	p1 =	seq.s32 s10, $0x1;
	s10 =	sld [smem:$0x3FB9];
	_ =	sdelay $0x3  }
0x37: {  	[smem:$0x3FB9] =	sst s10  }
0x38: {  	s10 =	sld [smem:$0x3FBA]  }
0x39: {  	_ = 	snop;
	(pc) =	sbr.ind lr, $3  }
0x3a: {  	_ = 	snop  }
0x3b: {  	_ = 	snop  }
0x3c: {  	p2 =	seq.s32 s10, $0x1;
	s10 =	sld [smem:$0x3FB9]  }
0x3d: {  	_ =	shalt  }
0x3e: {  	_ =	shalt  }
0x3f: {  	_ =	shalt  }
0x40: {  	_ =	shalt  }
0x41: {  	_ =	shalt  }
0x42: {  	_ =	shalt  }
0x43: {  	_ =	shalt  }
0x44: {  	_ =	shalt  }
0x45: {  	_ =	shalt  }
0x46: {  	_ =	shalt  }
0x47: {  	_ =	shalt  }
0x48: {  	_ =	shalt  }
0x49: {  	_ =	shalt  }
0x4a: {  	_ =	shalt  }
0x4b: {  	_ =	shalt  }
0x4c: {  	_ =	shalt  }
0x4d: {  	_ =	shalt  }
0x4e: {  	_ =	shalt  }
0x4f: {  	_ =	shalt  }
0x50: {  	_ =	shalt  }
0x51: {  	_ =	shalt  }
0x52: {  	_ =	shalt  }
0x53: {  	_ =	shalt  }
0x54: {  	_ =	shalt  }
0x55: {  	_ =	shalt  }
0x56: {  	_ =	shalt  }
0x57: {  	_ =	shalt  }
0x58: {  	_ =	shalt  }
0x59: {  	_ =	shalt  }
0x5a: {  	_ =	shalt  }
0x5b: {  	_ =	shalt  }
0x5c: {  	_ =	shalt  }
0x5d: {  	_ =	shalt  }
0x5e: {  	_ =	shalt  }
0x5f: {  	_ =	shalt  }
0x60: {  	_ =	shalt  }
0x61: {  	_ =	shalt  }
0x62: {  	_ =	shalt  }
0x63: {  	_ =	shalt  }
0x64: {  	_ =	shalt  }
0x65: {  	_ =	shalt  }
0x66: {  	_ =	shalt  }
0x67: {  	_ =	shalt  }
0x68: {  	_ =	shalt  }
0x69: {  	_ =	shalt  }
0x6a: {  	_ =	shalt  }
0x6b: {  	_ =	shalt  }
0x6c: {  	_ =	shalt  }
0x6d: {  	_ =	shalt  }
0x6e: {  	_ =	shalt  }
0x6f: {  	_ =	shalt  }
0x70: {  	_ =	shalt  }
0x71: {  	_ =	shalt  }
0x72: {  	_ =	shalt  }
0x73: {  	_ =	shalt  }
0x74: {  	_ =	shalt  }
0x75: {  	_ =	shalt  }
0x76: {  	_ =	shalt  }
0x77: {  	_ =	shalt  }
0x78: {  	_ =	shalt  }
0x79: {  	_ =	shalt  }
0x7a: {  	_ =	shalt  }
0x7b: {  	_ =	shalt  }
0x7c: {  	_ =	shalt  }
0x7d: {  	_ =	shalt  }
0x7e: {  	_ =	shalt  }
0x7f: {  	_ =	shalt  }
0x80: {  	_ =	shalt  }
0x81: {  	_ =	shalt  }
0x82: {  	_ =	shalt  }
0x83: {  	_ =	shalt  }
0x84: {  	_ =	shalt  }
0x85: {  	_ =	shalt  }
0x86: {  	_ =	shalt  }
0x87: {  	_ =	shalt  }
.Lfunc_end0:
.L_simem_size_0:
called_computation_lowered:
.L_overlay_start_0:
0x88: {  	s2 =	sld [smem:$0x3FD9]  }
0x89: {  	s3 =	sld [smem:$0x3FFE];
	_ =	sdelay $0x1  }
0x8a: {  	s1 =	srdreg.scid  }
0x8b: {  	s0 =	sand.u32 $0x1, s1  }
0x8c: {  	s18 =	sshll.u32 s0, $0xA;
	s2 =	sadd.s32 s3, s2  }
0x8d: {  	s2 =	sadd.s32 s2, s18  }
0x8e: {  	[smem:$0x3FC5] =	sst s2  }
0x8f: {  	_ = 	snop  }
0x90: {  	s2 =	sld [smem:$0x3FC9]  }
0x91: {  	s19 =	sld [smem:$0x3FD0];
	(tm) =	ssettm $0x1  }
0x92: {  	s4 =	sld [smem:$0x3FFB];
	_ =	sdelay $0x3  }
0x93: {  	_ =	strace s4  }
0x94: {  	s4 =	sld [smem:$0x3FFC];
	_ =	sdelay $0x3  }
0x95: {  	_ =	strace s4  }
0x96: {  	s4 =	sld [smem:$0x3FFD];
	_ =	sdelay $0x3  }
0x97: {  	_ =	strace s4  }
0x98: {  	_ =	strace $0x8FFFFFFF  }
0x99: {  	s20 =	sld [smem:$0x3FDB];
	_ =	sdelay $0x1  }
0x9a: {  	s5 =	simm.s32 $_scs_section_size  }
0x9b: {  	s6 =	simm.s32 $_size__tile_overlayer_lowered;
	s7 =	simm.s32 $_tile_overlayer_lowered  }
0x9c: {  	s23 =	simm.s32 $0x1BFF;
	s22 =	sshll.u32 s7, $0x1;
	s4 =	sadd.s32 s5, s20  }
0x9d: {  	s8 =	simm.s32 $0x0;
	s21 =	sshll.u32 s6, $0x1;
	s6 =	sadd.s32 s22, s4  }
0x9e: {  	[timem:s8], [sflag:s23] =	dma.local [hbm:s6], s21  }
0x9f: {  	_ =	swait.ge [sflag:s23], s21  }
0xa0: {  	s5 =	ssub.s32 $0x0, s21;
	[sflag:s23] =	ssyncset.done $0x0  }
0xa1: {  	[sflag:s23] =	ssyncadd.s32 s5;
	_ =	sdelay $0x1  }
0xa2: {  	s24 =	simm.s32 $0x1B8B  }
0xa3: {  	_ =	swait.ge [sflag:s24], $0x1  }
0xa4: {  	[sflag:s24] =	ssyncset.done $0x0  }
0xa5: {  	s25 =	simm.s32 $0x1B8E;
	[sflag:s24] =	ssyncadd.s32 $0xFFFFFFFF  }
0xa6: {  	s26 =	simm.s32 $execute0_lowered;
	[smem:$0x3FD2] =	sst s25  }
0xa7: {  	s5 =	sshll.u32 s26, $0x1;
	_ =	strace $0x80000046;
	[dreg:$0x1] =	wrdreg $0xFFFFFFFF  }
0xa8: {  	s28 =	simm.s32 $_size_execute0_lowered;
	s4 =	sadd.s32 s4, s5;
	[dreg:$0x0] =	wrdreg $0x0  }
0xa9: {  	s5 =	sshll.u32 s28, $0x1;
	[dreg:$0x2] =	wrdreg s4  }
0xaa: {  	[dreg:$0x3] =	wrdreg s5  }
0xab: {  	[dreg:$0x4] =	wrdreg $0xC0  }
0xac: {  	_ =	task [dreg:s8], $0x5FFFF  }
0xad: {  	[dreg:$0x1] =	wrdreg $0xFFFFFFFF  }
0xae: {  	[dreg:$0x0] =	wrdreg $0x60  }
0xaf: {  	[dreg:$0x2] =	wrdreg s2  }
0xb0: {  	[dreg:$0x3] =	wrdreg s19  }
0xb1: {  	[dreg:$0x4] =	wrdreg $0x9  }
0xb2: {  	_ =	task.clear_ibuf [dreg:s8], $0x5FFFF;
	_ =	strace $0x90000046  }
0xb3: {  	s29 =	simm.s32 $0x9;
	_ =	strace $0x80000048  }
0xb4: {  	_ =	swait.ge [sflag:s29], $0x1  }
0xb5: {  	[sflag:s29] =	ssyncadd.s32 $0xFFFFFFFF  }
0xb6: {  	_ =	strace $0x90000048  }
0xb7: {  	_ =	sfence  }
0xb8: {  	s30 =	sld [smem:$0x0];
	_ =	sdelay $0x2  }
0xb9: {  	s31 =	sshll.u32 s1, $0xD;
	s1 =	sshrl.u32 s1, $0x2  }
0xba: {  	s3 =	sand.u32 $0x4000, s31;
	s1 =	sadd.s32 s1, s30  }
0xbb: {  	s0 =	sor.u32 s3, s0;
	s1 =	sshll.u32 s1, $0x11  }
0xbc: {  	s0 =	sor.u32 s1, s0  }
0xbd: {  	s0 =	sadd.s32 $0x8F2B, s0  }
0xbe: {  	[sflag:s0] =	ssyncadd.remote.s32 $0x1  }
0xbf: {  	_ =	sfence.sel $0xFFFF  }
0xc0: {  	[dreg:$0x0] =	wrdreg $0xFFFFFFFF;
	(pc) =	sbr.abs _section_cstart, $3  }
0xc1: {  	[dreg:$0x1] =	wrdreg $0xFFFFFFFF  }
0xc2: {  	_ =	task.clear_ibuf [dreg:s8], $0x2FFFF;
	_ =	strace $0x9FFFFFFF  }
0xc3: {  	(tm) =	ssettm $0x7FFFFFFF  }
tec
execute0_lowered:
.L_overlay_start_1:
0x0: {  	(tag) =	ssettag $0x1  }
0x1: {  	s16 =	rddreg [dreg:$0x0]  }
0x2: {  	s2 =	rddreg [dreg:$0x1];
	s4 =	srdreg.scid  }
0x3: {  	s0 =	stileid.u32;
	s3 =	simm.s32 $0x0;
	s18 =	simm.s32 $0x7A1400  }
0x4: {  	s19 =	simm.s32 $0x4000;
	s20 =	simm.s32 $0x1;
	s21 =	simm.s32 $0x2  }
0x5: {  	s22 =	simm.s32 $0xA;
	s5 =	sand.u32 $0x1, s4;
	s23 =	smul.u32 $0xF4, s0  }
0x6: {  	[smem:$0x7FF] =	sst s3;
	s7 =	sshll.u32 s0, $0x1;
	s25 =	smul.u32 $0xF400, s0  }
0x7: {  	s6 =	smul.u32 $0x7A, s5;
	_ =	strace $0x80000047;
	s8 =	ssub.s32 $0x2, s5  }
0x8: {  	s7 =	sor.u32 s5, s7;
	s28 =	smul.u32 $0x7A00, s5;
	s9 =	sshrl.u32 s8, $0x1  }
0x9: {  	s4 =	smul.u32 $0x7A, s7;
	s6 =	sadd.s32 s6, s23;
	s24 =	ssub.s32 s8, s9  }
0xa: {  	s7 =	sadd.s32 s28, s25;
	s25 =	simm.s32 $0x8000;
	s12 =	sshll.u32 s6, $0x8  }
0xb: {  	s29 =	smax.u32 s24, $0x1;
	s9 =	sadd.s32 s2, s7;
	s10 =	sadd.s32 s16, s7  }
0xc: {  	s24 =	simm.s32 $0x3;
	s14 =	sadd.s32 $0x400, s12;
	s17 =	sadd.s32 $0x200, s12  }
0xd: {  	[dreg:$0x3] =	wrdreg s29;
	s11 =	sadd.s32 s12, s2;
	s12 =	sadd.s32 s12, s16  }
.Ltmp0:
0xe: {  	s26 =	sand.u32 $0x1FFE00, s14;
	s31 =	sand.u32 $0x1FFE00, s17;
	(pc) =	sbr.rel .LBB2_1-.Ltmp0, $4  }
0xf: {  	s11 =	sadd.s32 $0x100, s11;
	s12 =	sadd.s32 $0x100, s12;
	s13 =	sadd.s32 s14, s16  }
0x10: {  	s14 =	sadd.s32 s14, s2;
	s15 =	sadd.s32 s17, s2;
	s30 =	sadd.s32 s26, s16  }
0x11: {  	s8 =	sadd.s32 s31, s16;
	s16 =	sadd.s32 s17, s16;
	s17 =	simm.s32 $0x800  }
0x12: {  	s26 =	simm.s32 $0x0;
	s6 =	sadd.s32 $0x100, s30;
	s8 =	sadd.s32 $0x100, s8  }
.LBB2_8:
0x13: {  	s26 =	sadd.s32 $0x1, s26;
	s0 =	rddreg [dreg:$0x3]  }
0x14: {  	p0 =	sne.s32 s26, s0  }
.Ltmp1:
0x15: {  	_ = 	snop;
	(pc) =	sbr.rel @!p0 .LBB2_9-.Ltmp1, $1  }
0x16: {  	_ =	sdelay $0x3  }
.LBB2_1:
.Ltmp2:
0x17: {  	(pc) =	sbr.rel .LBB2_2-.Ltmp2, $2  }
0x18: {  	_ =	sdelay $0x2  }
0x19: {  	s28 =	simm.s32 $0x3;
	s29 =	simm.s32 $0x0;
	s30 =	simm.s32 $0x0  }
.LBB2_6:
0x1a: {  	s0 =	sadd.s32 s29, s8;
	s1 =	simm.s32 $0xC000  }
0x1b: {  	[tilespmem:s1], [sflag:$0x4] =	stream.strided.gather [hbm4b:s0+s17], $0x4000, s18, s17, $0x38;
	[tilespmem:$0x18000] =	vst v63  }
0x1c: {  	_ =	swait.ge [sflag:s24], $0x4000  }
0x1d: {  	s23 =	sadd.s32 s29, s15;
	[sflag:s24] =	ssyncset.done $0x0  }
0x1e: {  	p1 =	por $0x1, $0x1;
	s31 =	smov.u32 s28;
	[sflag:s24] =	ssyncadd.s32 $0xFFFFC000  }
0x1f: {  	[hbm4b:s23+s17] =	stream.strided.scatter [tilespmem:s25], [sflag:$0x9], $0x4000, s18, s17, $0x38;
	[tilespmem:$0x18000] =	vst v63  }
.LBB2_7:
0x20: {  	p4 =	por @!p0 $0x0, $0x0;
	p3 =	por @!p3 $0x1, $0x1;
	p2 =	por !p2, p0  }
0x21: {  	p3 =	por @!p2 p4, p4;
	p2 =	por $0x0, $0x0  }
0x22: {  	p2 =	por @!p0 p3, p3  }
0x23: {  	s0 =	simm.s32 @p2 $0xB  }
0x24: {  	_ =	swait.ge @p2 [sflag:s0], $0x4000  }
0x25: {  	s1 =	simm.s32 @p1 $0x800;
	s5 =	simm.s32 @p1 $0x7A1400;
	[sflag:s0] =	ssyncset.done @p2 $0x0  }
0x26: {  	s23 =	simm.s32 @p1 $0x10000;
	[sflag:s0] =	ssyncadd.s32 @p2 $0xFFFFC000;
	s0 =	sadd.s32 @p1 s29, s13  }
0x27: {  	[tilespmem:s23], [sflag:$0x5] =	stream.strided.gather @p1 [hbm4b:s0+s1], $0x4000, s5, s1, $0x38;
	[tilespmem:$0x18000] =	vst v63  }
0x28: {  	s31 =	sadd.s32 @p1 s4, s31;
	s0 =	simm.s32 @p1 $0x4  }
0x29: {  	s31 =	sshll.u32 @p1 s31, $0x8;
	_ =	swait.ge @p1 [sflag:s0], $0x4000  }
0x2a: {  	s31 =	sand.u32 @p1 $0x1FFFFF00, s31;
	[sflag:s0] =	ssyncset.done @p1 $0x0  }
0x2b: {  	[sflag:s0] =	ssyncadd.s32 @p1 $0xFFFFC000;
	s0 =	sadd.s32 @p1 s2, s31;
	s31 =	simm.s32 @p1 $0xC000  }
0x2c: {  	[hbm4b:s0+s1] =	stream.strided.scatter @p1 [tilespmem:s31], [sflag:$0xA], $0x4000, s5, s1, $0x38;
	[tilespmem:$0x18000] =	vst v63  }
0x2d: {  	s0 =	simm.s32 @p2 $0xC  }
0x2e: {  	_ =	swait.ge @p2 [sflag:s0], $0x4000  }
0x2f: {  	[sflag:s0] =	ssyncset.done @p2 $0x0  }
0x30: {  	s31 =	simm.s32 @p1 $0x14000;
	[sflag:s0] =	ssyncadd.s32 @p2 $0xFFFFC000;
	s0 =	sadd.s32 @p1 s29, s6  }
0x31: {  	[tilespmem:s31], [sflag:$0x6] =	stream.strided.gather @p1 [hbm4b:s0+s1], $0x4000, s5, s1, $0x38;
	[tilespmem:$0x18000] =	vst v63  }
0x32: {  	s0 =	simm.s32 @p1 $0x5  }
0x33: {  	_ =	swait.ge @p1 [sflag:s0], $0x4000  }
0x34: {  	[sflag:s0] =	ssyncset.done @p1 $0x0  }
0x35: {  	[sflag:s0] =	ssyncadd.s32 @p1 $0xFFFFC000;
	s0 =	sadd.s32 @p1 s29, s14;
	s29 =	sadd.s32 $0x600, s29  }
0x36: {  	p0 =	sne.s32 s29, $0x8400  }
.Ltmp3:
0x37: {  	_ = 	snop;
	(pc) =	sbr.rel @!p0 .LBB2_8-.Ltmp3, $3  }
0x38: {  	_ =	sdelay $0x1  }
0x39: {  	s30 =	sadd.s32 $0x1, s30;
	s28 =	sadd.s32 $0x6, s28  }
0x3a: {  	[hbm4b:s0+s1] =	stream.strided.scatter @p1 [tilespmem:s23], [sflag:$0xB], $0x4000, s5, s1, $0x38;
	[tilespmem:$0x18000] =	vst v63  }
.LBB2_2:
0x3b: {  	s31 =	sadd.s32 $0xFFFFFFF7, s28  }
0x3c: {  	p1 =	sgt.u32 s31, $0x79  }
0x3d: {  	s31 =	simm.s32 @!p1 $0x7  }
0x3e: {  	p0 =	seq.s32 s29, $0x7E00;
	_ =	swait.ge @!p1 [sflag:s31], $0x4000  }
0x3f: {  	s0 =	simm.s32 @!p0 $0x800;
	s1 =	simm.s32 @!p0 $0x7A1400;
	[sflag:s31] =	ssyncset.done @!p1 $0x0  }
0x40: {  	s5 =	simm.s32 @!p0 $0x0;
	[sflag:s31] =	ssyncadd.s32 @!p1 $0xFFFFC000;
	s31 =	sadd.s32 @!p0 s29, s10  }
0x41: {  	[tilespmem:s5], [sflag:$0x1] =	stream.strided.gather @!p0 [hbm4b:s31+s0], $0x4000, s1, s0, $0x38;
	[tilespmem:$0x18000] =	vst v63  }
0x42: {  	s0 =	sadd.s32 @!p0 $0xFFFFFFFB, s28  }
0x43: {  	p2 =	sgt.u32 @!p0 s0, $0x79  }
0x44: {  	p3 =	por p2, p0  }
0x45: {  	s0 =	simm.s32 @!p3 $0x6;
	s1 =	sadd.s32 @!p3 s29, s7;
	s5 =	simm.s32 @!p3 $0x7A1400  }
0x46: {  	_ =	swait.ge @!p3 [sflag:s0], $0x4000;
	s1 =	sadd.s32 @!p3 $0x1FFFFF00, s1  }
0x47: {  	s31 =	simm.s32 @!p3 $0x14000;
	[sflag:s0] =	ssyncset.done @!p3 $0x0;
	s1 =	sand.u32 @!p3 $0x1FFFFF00, s1  }
0x48: {  	[sflag:s0] =	ssyncadd.s32 @!p3 $0xFFFFC000;
	s0 =	sadd.s32 @!p3 s2, s1;
	s1 =	simm.s32 @!p3 $0x800  }
0x49: {  	[hbm4b:s0+s1] =	stream.strided.scatter @!p3 [tilespmem:s31], [sflag:$0xC], $0x4000, s5, s1, $0x38;
	[tilespmem:$0x18000] =	vst v63  }
.Ltmp4:
0x4a: {  	_ = 	snop;
	(pc) =	sbr.rel @p0 .LBB2_7-.Ltmp4, $4  }
0x4b: {  	s0 =	simm.s32 @!p1 $0x8  }
0x4c: {  	_ =	swait.ge @!p1 [sflag:s0], $0x4000  }
0x4d: {  	[sflag:s0] =	ssyncset.done @!p1 $0x0  }
0x4e: {  	s31 =	simm.s32 $0x81;
	[sflag:s0] =	ssyncadd.s32 @!p1 $0xFFFFC000;
	p1 =	por $0x0, $0x0  }
0x4f: {  	s0 =	sadd.s32 s29, s12  }
0x50: {  	[tilespmem:s19], [sflag:$0x2] =	stream.strided.gather [hbm4b:s0+s17], $0x4000, s18, s17, $0x38;
	[tilespmem:$0x18000] =	vst v63  }
0x51: {  	s23 =	sadd.s32 $0xFFFFFFF9, s28;
	_ =	swait.ge [sflag:s20], $0x4000  }
0x52: {  	p4 =	sgt.u32 s23, $0x79;
	[sflag:s20] =	ssyncset.done $0x0  }
0x53: {  	s5 =	sadd.s32 s29, s9;
	s0 =	simm.s32 @!p4 $0x9;
	[sflag:s20] =	ssyncadd.s32 $0xFFFFC000  }
0x54: {  	[hbm4b:s5+s17] =	stream.strided.scatter [tilespmem:s3], [sflag:$0x7], $0x4000, s18, s17, $0x38;
	[tilespmem:$0x18000] =	vst v63  }
0x55: {  	p5 =	sgt.u32 s30, $0x13;
	_ =	swait.ge @!p4 [sflag:s0], $0x4000  }
0x56: {  	s1 =	simm.s32 @!p5 $0x800;
	s31 =	simm.s32 @!p5 $0x8000;
	[sflag:s0] =	ssyncset.done @!p4 $0x0  }
0x57: {  	s5 =	simm.s32 @!p5 $0x7A1400;
	[sflag:s0] =	ssyncadd.s32 @!p4 $0xFFFFC000;
	s0 =	sadd.s32 @!p5 s29, s16  }
0x58: {  	[tilespmem:s31], [sflag:$0x3] =	stream.strided.gather @!p5 [hbm4b:s0+s1], $0x4000, s5, s1, $0x38;
	[tilespmem:$0x18000] =	vst v63  }
.Ltmp5:
0x59: {  	_ = 	snop;
	(pc) =	sbr.rel @p4 .LBB2_5-.Ltmp5, $4  }
0x5a: {  	_ =	swait.ge [sflag:s21], $0x4000  }
0x5b: {  	[sflag:s21] =	ssyncset.done $0x0  }
0x5c: {  	s31 =	sadd.s32 s29, s11;
	[sflag:s21] =	ssyncadd.s32 $0xFFFFC000  }
0x5d: {  	[hbm4b:s31+s17] =	stream.strided.scatter [tilespmem:s19], [sflag:$0x8], $0x4000, s18, s17, $0x38;
	[tilespmem:$0x18000] =	vst v63  }
0x5e: {  	p4 =	slt.u32 s30, $0x14  }
.Ltmp6:
0x5f: {  	_ = 	snop;
	(pc) =	sbr.rel @p4 .LBB2_6-.Ltmp6, $4  }
.Ltmp7:
0x60: {  	_ = 	snop;
	(pc) =	sbr.rel @!p4 .LBB2_7-.Ltmp7, $4  }
0x61: {  	_ =	swait.ge [sflag:s22], $0x4000  }
0x62: {  	[sflag:s22] =	ssyncset.done $0x0  }
0x63: {  	s31 =	smov.u32 s28;
	[sflag:s22] =	ssyncadd.s32 $0xFFFFC000  }
0x64: {  	_ = 	snop  }
.LBB2_5:
.Ltmp8:
0x65: {  	(pc) =	sbr.rel @p5 .LBB2_7-.Ltmp8, $4  }
.Ltmp9:
0x66: {  	(pc) =	sbr.rel @!p5 .LBB2_6-.Ltmp9, $4  }
0x67: {  	_ = 	snop  }
0x68: {  	_ = 	snop  }
0x69: {  	s31 =	smov.u32 s28  }
0x6a: {  	_ = 	snop  }
.LBB2_9:
0x6b: {  	_ =	sfence.sel $0x180000  }
0x6c: {  	[bflag:$0x0] =	sbarrier.arrive $0xFFFF  }
0x6d: {  	_ =	strace $0x90000047  }
0x6e: {  	s0 =	stileid.u32;
	[bflag:$0x2] =	sbarrier.arrive $0xFFFF  }
0x6f: {  	p0 =	sne.s32 s0, $0x0;
	s0 =	rddreg [dreg:$0x2]  }
0x70: {  	s0 =	sadd.s32 @!p0 $0x100000, s0  }
0x71: {  	[sflag:s0] =	ssyncadd.tile.s32 @!p0 $0x1;
	_ =	shalt  }
.Lfunc_end2:
_tile_overlayer_lowered:
.L_overlay_start_2:
0x72: {  	(tag) =	ssettag $0x2  }
0x73: {  	s0 =	rddreg [dreg:$0x0];
	s2 =	stileid.u32  }
0x74: {  	s1 =	rddreg [dreg:$0x1];
	p0 =	sne.s32 s2, $0x0  }
0x75: {  	s3 =	rddreg [dreg:$0x2];
	[bflag:$0x3] =	sbarrier.arrive $0xFFFF;
	s2 =	simm.s32 @!p0 $0x1C0D  }
0x76: {  	[timem:s3], [sflag:s2] =	dma.local @!p0 [hbm:s0], s1  }
0x77: {  	s0 =	simm.s32 @!p0 $0xD  }
0x78: {  	_ =	swait.ge @!p0 [sflag:s0], s1  }
0x79: {  	s1 =	ssub.s32 @!p0 $0x0, s1;
	[sflag:s0] =	ssyncset.done @!p0 $0x0  }
0x7a: {  	[sflag:s0] =	ssyncadd.s32 @!p0 s1  }
0x7b: {  	[bflag:$0x3] =	sbarrier.arrive $0xFFFF  }
0x7c: {  	_ =	shalt  }

</sc_bundles>
